<compile_context>
chip_gen: v7x
topology: tpu7x:2x2x1
jax: 0.10.2.dev20260603
libtpu: 0.0.44.dev20260713+nightly
codegen_flags: <defaults>
</compile_context>

<pallas_src>
import functools

import jax
import jax.numpy as jnp
import numpy as np
from jax import lax
from jax.experimental import pallas as pl
from jax.experimental.pallas import tpu as pltpu
from jax.experimental.pallas import tpu_sc as plsc

B, L, V, D, TD, NH, TOPK, TEMP = 1024, 50, 100000, 64, 512, 4, 20, 0.07
VP = 102400
CW = 128
NCH = VP // CW
TN = 2048
BM = 256
RB = 128
NEG = -1.0e30
NEGF = -3.0e38
BIGI = 2 ** 30



def _ln(x, eps=1e-12):
    mu = jnp.mean(x, axis=-1, keepdims=True)
    var = jnp.mean((x - mu) ** 2, axis=-1, keepdims=True)
    return (x - mu) / jnp.sqrt(var + eps)


def _mod_proj(x, p):
    h = jax.nn.gelu(jnp.dot(x, p['w1']) + p['b1'])
    h = jnp.dot(h, p['w2']) + p['b2']
    out = p['alpha'] * h + jnp.dot(x, p['rw']) + p['rb']
    return _ln(out, 1e-5)


def _mha(q_in, kv_in, p, mask):
    Bq, Lq, Dm = q_in.shape
    hd = Dm // NH
    def split(t):
        return t.reshape(Bq, -1, NH, hd).transpose(0, 2, 1, 3)
    q = split(jnp.dot(q_in, p['wq']) + p['bq'])
    k = split(jnp.dot(kv_in, p['wk']) + p['bk'])
    v = split(jnp.dot(kv_in, p['wv']) + p['bv'])
    logits = jnp.einsum('bhqd,bhkd->bhqk', q, k) / np.sqrt(hd)
    logits = jnp.where(mask[:, None, None, :], logits, -1e9)
    a = jax.nn.softmax(logits, axis=-1)
    o = jnp.einsum('bhqk,bhkd->bhqd', a, v)
    o = o.transpose(0, 2, 1, 3).reshape(Bq, Lq, Dm)
    return jnp.dot(o, p['wo']) + p['bo']


def _self_attend(seq, maskf, p):
    Q = jnp.dot(seq, p['wq']) + p['bq']
    K = jnp.dot(seq, p['wk']) + p['bk']
    Vv = jnp.dot(seq, p['wv']) + p['bv']
    attn = jnp.einsum('bqd,bkd->bqk', Q, K) / np.sqrt(D)
    attn = jnp.where(maskf[:, None, :] > 0, attn, -1e9)
    a = jax.nn.softmax(attn, axis=-1)
    out = jnp.einsum('bqk,bkd->bqd', a, Vv)
    pref = jnp.sum(out * maskf[..., None], axis=1) / jnp.sum(maskf, axis=1, keepdims=True)
    return jnp.dot(pref, p['wo']) + p['bo']


def _user_vec(params, text_feat, image_feat, hist, mask):
    maskf = mask.astype(jnp.float32)
    item_seq = params['item_table'][hist]
    text_seq = _mod_proj(text_feat[hist], params['tp'])
    vis_seq = _mod_proj(image_feat[hist], params['vp'])
    pos = params['pos_table'][:L][None, :, :]
    item_seq = _ln(item_seq + pos)
    text_seq = _ln(text_seq + pos)
    vis_seq = _ln(vis_seq + pos)
    den = params['den']
    tr = _mha(text_seq, vis_seq, den['t2v'], mask)
    vr = _mha(vis_seq, text_seq, den['v2t'], mask)
    g = jax.nn.softmax(jnp.dot(jax.nn.gelu(jnp.dot(item_seq, den['g1']) + den['gb1']), den['g2']) + den['gb2'], axis=-1)
    text_out = _ln(text_seq + den['res'] * (g[..., 0:1] * tr), 1e-5)
    vis_out = _ln(vis_seq + den['res'] * (g[..., 1:2] * vr), 1e-5)
    ip = _self_attend(item_seq, maskf, params['up']['item'])
    tp_ = _self_attend(text_out, maskf, params['up']['text'])
    vp_ = _self_attend(vis_out, maskf, params['up']['visual'])
    cat = jnp.concatenate([ip, tp_, vp_], axis=-1)
    rt = params['rt']
    h = jnp.dot(cat, rt['w1']) + rt['b1']
    h = h / jnp.maximum(jnp.linalg.norm(h, axis=1, keepdims=True), 1e-12)
    w = jax.nn.softmax((jnp.dot(jax.nn.relu(h), rt['w2']) + rt['b2']) / TEMP, axis=1)
    return w[:, 0:1] * ip + w[:, 1:2] * tp_ + w[:, 2:3] * vp_



def _scores_body(u_ref, t_ref, s_ref, m_ref):
    j = pl.program_id(0)
    s = lax.dot_general(u_ref[...], t_ref[...], (((1,), (1,)), ((), ())))
    col = j * TN + lax.broadcasted_iota(jnp.int32, (BM, TN), 1)
    s = jnp.where(col < V, s, NEG)
    s_ref[...] = s
    m_ref[0] = jnp.max(s.reshape(BM, TN // CW, CW), axis=2)


def _scores_topchunks(user, tpad):
    return pl.pallas_call(
        _scores_body,
        grid=(VP // TN, B // BM),
        in_specs=[
            pl.BlockSpec((BM, D), lambda j, i: (i, 0)),
            pl.BlockSpec((TN, D), lambda j, i: (j, 0)),
        ],
        out_specs=[
            pl.BlockSpec((BM, TN), lambda j, i: (i, j)),
            pl.BlockSpec((1, BM, TN // CW), lambda j, i: (j, i, 0)),
        ],
        out_shape=[
            jax.ShapeDtypeStruct((B, VP), jnp.float32),
            jax.ShapeDtypeStruct((VP // TN, B, TN // CW), jnp.float32),
        ],
    )(user, tpad)



def _l1_body(m_ref, o_ref):
    i = pl.program_id(0)
    x = m_ref[...]
    iota_c = lax.broadcasted_iota(jnp.int32, (RB, NCH), 1)
    rowbase = (i * RB + lax.broadcasted_iota(jnp.int32, (RB, 1), 0)) * NCH
    cols = []
    for _ in range(TOPK):
        m = jnp.max(x, axis=1, keepdims=True)
        sel = jnp.min(jnp.where(x == m, iota_c, BIGI), axis=1, keepdims=True)
        cols.append(sel + rowbase)
        x = jnp.where(iota_c == sel, NEGF, x)
    cols.append(jnp.zeros((RB, 128 - TOPK), jnp.int32))
    o_ref[...] = jnp.concatenate(cols, axis=1)


def _top_chunk_ids(cmax):
    out = pl.pallas_call(
        _l1_body,
        grid=(B // RB,),
        in_specs=[pl.BlockSpec((RB, NCH), lambda i: (i, 0))],
        out_specs=pl.BlockSpec((RB, 128), lambda i: (i, 0)),
        out_shape=jax.ShapeDtypeStruct((B, 128), jnp.int32),
    )(cmax)
    return out[:, :TOPK]



_NW = 32
_GROUPS = B * TOPK // 128
_GPW = _GROUPS // _NW


@functools.lru_cache(maxsize=None)
def _build_gather_chunks():
    @functools.partial(
        pl.kernel,
        mesh=plsc.VectorSubcoreMesh(core_axis_name="c", subcore_axis_name="s"),
        out_type=jax.ShapeDtypeStruct((B * TOPK, CW), jnp.float32),
        scratch_types=[
            pltpu.VMEM((128,), jnp.int32),
            pltpu.VMEM((128, CW), jnp.float32),
            pltpu.SemaphoreType.DMA,
        ],
    )
    def _gather_chunks(scores_hbm, idx_hbm, out_hbm, idx_v, rows_v, sem):
        wid = lax.axis_index("s") * 2 + lax.axis_index("c")
        for j in range(_GPW):
            r = wid * _GPW + j
            pltpu.sync_copy(idx_hbm.at[r], idx_v)
            pltpu.async_copy(scores_hbm.at[idx_v], rows_v, sem).wait()
            pltpu.sync_copy(rows_v, out_hbm.at[pl.ds(r * 128, 128)])

    return _gather_chunks



def _l2_body(c_ref, f_ref, v_ref, i_ref):
    i = pl.program_id(0)
    x = c_ref[...]
    rowbase = (i * RB + lax.broadcasted_iota(jnp.int32, (RB, 1), 0)) * NCH
    cid = f_ref[...] - rowbase
    idxarr = cid[:, :, None] * CW + lax.broadcasted_iota(
        jnp.int32, (RB, TOPK, CW), 2)
    vs, ids = [], []
    for _ in range(TOPK):
        m = jnp.max(jnp.max(x, axis=2), axis=1)
        m3 = m[:, None, None]
        hit = x == m3
        sel = jnp.min(jnp.min(jnp.where(hit, idxarr, BIGI), axis=2), axis=1)
        vs.append(m[:, None])
        ids.append(sel[:, None])
        x = jnp.where(hit & (idxarr == sel[:, None, None]), NEGF, x)
    v_ref[...] = jnp.concatenate(vs, axis=1)
    i_ref[...] = jnp.concatenate(ids, axis=1)


def _topk_of_candidates(cand, fidx):
    return pl.pallas_call(
        _l2_body,
        grid=(B // RB,),
        in_specs=[
            pl.BlockSpec((RB, TOPK, CW), lambda i: (i, 0, 0)),
            pl.BlockSpec((RB, TOPK), lambda i: (i, 0)),
        ],
        out_specs=[
            pl.BlockSpec((RB, TOPK), lambda i: (i, 0)),
            pl.BlockSpec((RB, TOPK), lambda i: (i, 0)),
        ],
        out_shape=[
            jax.ShapeDtypeStruct((B, TOPK), jnp.float32),
            jax.ShapeDtypeStruct((B, TOPK), jnp.int32),
        ],
    )(cand, fidx)



def kernel(params, text_feat, image_feat, hist, seq_mask):
    user = _user_vec(params, text_feat, image_feat, hist, seq_mask)
    tpad = jnp.pad(params['item_table'][:V], ((0, VP - V), (0, 0)))
    scores, cmax3 = _scores_topchunks(user, tpad)
    cmax = cmax3.transpose(1, 0, 2).reshape(B, NCH)
    fidx = _top_chunk_ids(cmax)
    cand = _build_gather_chunks()(scores.reshape(B * NCH, CW),
                                  fidx.reshape(_GROUPS, 128))
    vals, idx = _topk_of_candidates(cand.reshape(B, TOPK, CW), fidx)
    return vals, idx

# --- scband reference (transcript-rebuilt; emitter-appended) ---
"""Pipeline reference for scband-encoder-decoder-retrieval-model-85409719648608 (READ-ONLY COPY).

The authoritative reference and input builder live on the scoring server;
editing this copy changes nothing except your own understanding.
"""

import jax, jax.numpy as jnp
import numpy as np

B, L, V, D, TD, NH, TOPK, TEMP = 1024, 50, 100000, 64, 512, 4, 20, 0.07

def _ln(x, eps=1e-12):
    mu = jnp.mean(x, axis=-1, keepdims=True)
    var = jnp.mean((x - mu) ** 2, axis=-1, keepdims=True)
    return (x - mu) / jnp.sqrt(var + eps)

def _mod_proj(x, p):
    h = jax.nn.gelu(jnp.dot(x, p['w1']) + p['b1'])
    h = jnp.dot(h, p['w2']) + p['b2']
    out = p['alpha'] * h + jnp.dot(x, p['rw']) + p['rb']
    return _ln(out, 1e-5)

def _mha(q_in, kv_in, p, mask):
    Bq, Lq, Dm = q_in.shape
    hd = Dm // NH
    def split(t):
        return t.reshape(Bq, -1, NH, hd).transpose(0, 2, 1, 3)
    q = split(jnp.dot(q_in, p['wq']) + p['bq'])
    k = split(jnp.dot(kv_in, p['wk']) + p['bk'])
    v = split(jnp.dot(kv_in, p['wv']) + p['bv'])
    logits = jnp.einsum('bhqd,bhkd->bhqk', q, k) / np.sqrt(hd)
    logits = jnp.where(mask[:, None, None, :], logits, -1e9)
    a = jax.nn.softmax(logits, axis=-1)
    o = jnp.einsum('bhqk,bhkd->bhqd', a, v)
    o = o.transpose(0, 2, 1, 3).reshape(Bq, Lq, Dm)
    return jnp.dot(o, p['wo']) + p['bo']

def _self_attend(seq, maskf, p):
    Q = jnp.dot(seq, p['wq']) + p['bq']
    K = jnp.dot(seq, p['wk']) + p['bk']
    Vv = jnp.dot(seq, p['wv']) + p['bv']
    attn = jnp.einsum('bqd,bkd->bqk', Q, K) / np.sqrt(D)
    attn = jnp.where(maskf[:, None, :] > 0, attn, -1e9)
    a = jax.nn.softmax(attn, axis=-1)
    out = jnp.einsum('bqk,bkd->bqd', a, Vv)
    pref = jnp.sum(out * maskf[..., None], axis=1) / jnp.sum(maskf, axis=1, keepdims=True)
    return jnp.dot(pref, p['wo']) + p['bo']

def _forward(params, text_feat, image_feat, hist, mask):
    maskf = mask.astype(jnp.float32)
    item_seq = params['item_table'][hist]
    text_seq = _mod_proj(text_feat[hist], params['tp'])
    vis_seq = _mod_proj(image_feat[hist], params['vp'])
    pos = params['pos_table'][:L][None, :, :]
    item_seq = _ln(item_seq + pos)
    text_seq = _ln(text_seq + pos)
    vis_seq = _ln(vis_seq + pos)
    den = params['den']
    tr = _mha(text_seq, vis_seq, den['t2v'], mask)
    vr = _mha(vis_seq, text_seq, den['v2t'], mask)
    g = jax.nn.softmax(jnp.dot(jax.nn.gelu(jnp.dot(item_seq, den['g1']) + den['gb1']), den['g2']) + den['gb2'], axis=-1)
    text_out = _ln(text_seq + den['res'] * (g[..., 0:1] * tr), 1e-5)
    vis_out = _ln(vis_seq + den['res'] * (g[..., 1:2] * vr), 1e-5)
    ip = _self_attend(item_seq, maskf, params['up']['item'])
    tp_ = _self_attend(text_out, maskf, params['up']['text'])
    vp_ = _self_attend(vis_out, maskf, params['up']['visual'])
    cat = jnp.concatenate([ip, tp_, vp_], axis=-1)
    rt = params['rt']
    h = jnp.dot(cat, rt['w1']) + rt['b1']
    h = h / jnp.maximum(jnp.linalg.norm(h, axis=1, keepdims=True), 1e-12)
    w = jax.nn.softmax((jnp.dot(jax.nn.relu(h), rt['w2']) + rt['b2']) / TEMP, axis=1)
    user = w[:, 0:1] * ip + w[:, 1:2] * tp_ + w[:, 2:3] * vp_
    scores = jnp.dot(user, params['item_table'][:V].T)
    vals, idx = jax.lax.top_k(scores, TOPK)
    return vals, idx

def setup_inputs(seed: int = 0):
    key = jax.random.key(seed)
    ks = iter(jax.random.split(key, 80))
    def W(din, dout):
        return jax.random.normal(next(ks), (din, dout), dtype=jnp.float32) / np.sqrt(din)
    def mha_p():
        return {'wq': W(D, D), 'bq': jnp.zeros(D), 'wk': W(D, D), 'bk': jnp.zeros(D), 'wv': W(D, D), 'bv': jnp.zeros(D), 'wo': W(D, D), 'bo': jnp.zeros(D)}
    def proj_p():
        return {'w1': W(TD, 2 * D), 'b1': jnp.zeros(2 * D), 'w2': W(2 * D, D), 'b2': jnp.zeros(D), 'rw': W(TD, D), 'rb': jnp.zeros(D), 'alpha': jnp.asarray(0.5, dtype=jnp.float32)}
    hist = jax.random.randint(next(ks), (B, L), 0, V)
    mask = jnp.ones((B, L), dtype=bool)
    text_feat = jax.random.normal(next(ks), (V + 1, TD), dtype=jnp.float32) * 0.02
    image_feat = jax.random.normal(next(ks), (V + 1, TD), dtype=jnp.float32) * 0.02
    params = {
        'item_table': jax.random.normal(next(ks), (V + 1, D), dtype=jnp.float32) * 0.02,
        'pos_table': jax.random.normal(next(ks), (2048, D), dtype=jnp.float32) * 0.02,
        'tp': proj_p(), 'vp': proj_p(),
        'den': {'t2v': mha_p(), 'v2t': mha_p(), 'g1': W(D, D // 2), 'gb1': jnp.zeros(D // 2), 'g2': W(D // 2, 2), 'gb2': jnp.zeros(2), 'res': jnp.asarray(0.5, dtype=jnp.float32)},
        'up': {m: mha_p() for m in ('item', 'text', 'visual')},
        'rt': {'w1': W(3 * D, (3 * D) // 8), 'b1': jnp.zeros((3 * D) // 8), 'w2': W((3 * D) // 8, 3), 'b2': jnp.zeros(3)},
    }
    return {'params': params, 'text_feat': text_feat, 'image_feat': image_feat, 'hist': hist, 'seq_mask': mask}

def reference(params, text_feat, image_feat, hist, seq_mask):
    return _forward(params, text_feat, image_feat, hist, seq_mask)

if __name__ == "__main__":
    import jax
    _d = setup_inputs()
    print(jax.jit(kernel)(*tuple(_d.values())))

</pallas_src>

<mosaic_0001>
#map = affine_map<(d0, d1) -> (0, 0)>
module attributes {stable_mosaic.version = 14 : i64} {
  func.func @_gather_chunks(%arg0: i32, %arg1: i32, %arg2: memref<819200x128xf32, #tpu.memory_space<hbm>>, %arg3: memref<160x128xi32, #tpu.memory_space<hbm>>, %arg4: memref<20480x128xf32, #tpu.memory_space<hbm>>, %arg5: memref<128xi32, #tpu.memory_space<vmem>>, %arg6: memref<128x128xf32, #tpu.memory_space<vmem>>, %arg7: memref<!tpu.dma_semaphore, #tpu.memory_space<semaphore_mem>>) attributes {dimension_semantics = [#tpu.dimension_semantics<core_parallel>, #tpu.dimension_semantics<subcore_parallel>], iteration_bounds = array<i64: 2, 16>, scalar_prefetch = 0 : i64, scratch_operands = 3 : i64, tpu.core_type = #tpu.core_type<sc_vector_subcore>, window_params = [{transform_indices = #map}, {transform_indices = #map}, {transform_indices = #map}]} {
    %mul3A = arith.constant 2 : i32
    %mul3A_0 = arith.muli %arg1, %mul3A : i32
    %add3A = arith.addi %mul3A_0, %arg0 : i32
    %mul3A_1 = arith.constant 5 : i32
    %mul3A_2 = arith.muli %add3A, %mul3A_1 : i32
    %add3A_3 = arith.constant 0 : i32
    %add3A_4 = arith.addi %mul3A_2, %add3A_3 : i32
    "tpu.region"() ({
      %run_scoped3A = tpu.sem_alloc : memref<!tpu.dma_semaphore, #tpu.memory_space<semaphore_mem>>
      %dma_start3A_59 = arith.constant 0 : i32
      %dma_start3A_60 = tpu.memref_slice %arg3[%add3A_4, %dma_start3A_59] : memref<160x128xi32, #tpu.memory_space<hbm>> -> memref<1x128xi32, #tpu.memory_space<hbm>>
      %dma_start3A_61 = tpu.memref_squeeze %dma_start3A_60 : memref<1x128xi32, #tpu.memory_space<hbm>> -> memref<128xi32, #tpu.memory_space<hbm>>
      %dma_start3A_62 = arith.constant 0 : i32
      %dma_start3A_63 = tpu.memref_slice %arg3[%add3A_4, %dma_start3A_62] : memref<160x128xi32, #tpu.memory_space<hbm>> -> memref<1x128xi32, #tpu.memory_space<hbm>>
      %dma_start3A_64 = tpu.memref_squeeze %dma_start3A_63 : memref<1x128xi32, #tpu.memory_space<hbm>> -> memref<128xi32, #tpu.memory_space<hbm>>
      tpu.enqueue_dma source(%dma_start3A_64 : memref<128xi32, #tpu.memory_space<hbm>>) target(%arg5 : memref<128xi32, #tpu.memory_space<vmem>>) target_semaphore(%run_scoped3A : memref<!tpu.dma_semaphore, #tpu.memory_space<semaphore_mem>>)
      %dma_wait3A_65 = arith.constant 0 : i32
      %dma_wait3A_66 = tpu.memref_slice %arg3[%add3A_4, %dma_wait3A_65] : memref<160x128xi32, #tpu.memory_space<hbm>> -> memref<1x128xi32, #tpu.memory_space<hbm>>
      %dma_wait3A_67 = tpu.memref_squeeze %dma_wait3A_66 : memref<1x128xi32, #tpu.memory_space<hbm>> -> memref<128xi32, #tpu.memory_space<hbm>>
      %dma_wait3A_68 = arith.constant 0 : i32
      %dma_wait3A_69 = tpu.memref_slice %arg3[%add3A_4, %dma_wait3A_68] : memref<160x128xi32, #tpu.memory_space<hbm>> -> memref<1x128xi32, #tpu.memory_space<hbm>>
      %dma_wait3A_70 = tpu.memref_squeeze %dma_wait3A_69 : memref<1x128xi32, #tpu.memory_space<hbm>> -> memref<128xi32, #tpu.memory_space<hbm>>
      tpu.wait_dma2 semaphore(%run_scoped3A : memref<!tpu.dma_semaphore, #tpu.memory_space<semaphore_mem>>) src(%dma_wait3A_70 : memref<128xi32, #tpu.memory_space<hbm>>) dst(%arg5 : memref<128xi32, #tpu.memory_space<vmem>>)
      tpu.yield
    }) : () -> ()
    %dma_start3A = arith.constant 0 : i32
    %dma_start3A_5 = arith.constant 0 : i32
    %dma_start3A_6 = tpu.memref_slice %arg2[%dma_start3A, %dma_start3A_5] : memref<819200x128xf32, #tpu.memory_space<hbm>> -> memref<819200x128xf32, #tpu.memory_space<hbm>>
    tpu.enqueue_indirect_dma source(%dma_start3A_6 : memref<819200x128xf32, #tpu.memory_space<hbm>>) target(%arg6 : memref<128x128xf32, #tpu.memory_space<vmem>>) offsets(%arg5 : memref<128xi32, #tpu.memory_space<vmem>>) semaphore(%arg7 : memref<!tpu.dma_semaphore, #tpu.memory_space<semaphore_mem>>)
    %dma_wait3A = arith.constant 0 : i32
    %dma_wait3A_7 = arith.constant 0 : i32
    %dma_wait3A_8 = tpu.memref_slice %arg2[%dma_wait3A, %dma_wait3A_7] : memref<819200x128xf32, #tpu.memory_space<hbm>> -> memref<819200x128xf32, #tpu.memory_space<hbm>>
    tpu.wait_indirect_dma semaphore(%arg7 : memref<!tpu.dma_semaphore, #tpu.memory_space<semaphore_mem>>) src(%dma_wait3A_8 : memref<819200x128xf32, #tpu.memory_space<hbm>>) dst(%arg6 : memref<128x128xf32, #tpu.memory_space<vmem>>)
    %mul3A_9 = arith.constant 128 : i32
    %mul3A_10 = arith.muli %add3A_4, %mul3A_9 : i32
    "tpu.region"() ({
      %run_scoped3A = tpu.sem_alloc : memref<!tpu.dma_semaphore, #tpu.memory_space<semaphore_mem>>
      %dma_start3A_59 = arith.constant 0 : i32
      %dma_start3A_60 = tpu.memref_slice %arg4[%mul3A_10, %dma_start3A_59] : memref<20480x128xf32, #tpu.memory_space<hbm>> -> memref<128x128xf32, #tpu.memory_space<hbm>>
      %dma_start3A_61 = arith.constant 0 : i32
      %dma_start3A_62 = tpu.memref_slice %arg4[%mul3A_10, %dma_start3A_61] : memref<20480x128xf32, #tpu.memory_space<hbm>> -> memref<128x128xf32, #tpu.memory_space<hbm>>
      tpu.enqueue_dma source(%arg6 : memref<128x128xf32, #tpu.memory_space<vmem>>) target(%dma_start3A_62 : memref<128x128xf32, #tpu.memory_space<hbm>>) target_semaphore(%run_scoped3A : memref<!tpu.dma_semaphore, #tpu.memory_space<semaphore_mem>>)
      %dma_wait3A_63 = arith.constant 0 : i32
      %dma_wait3A_64 = tpu.memref_slice %arg4[%mul3A_10, %dma_wait3A_63] : memref<20480x128xf32, #tpu.memory_space<hbm>> -> memref<128x128xf32, #tpu.memory_space<hbm>>
      %dma_wait3A_65 = arith.constant 0 : i32
      %dma_wait3A_66 = tpu.memref_slice %arg4[%mul3A_10, %dma_wait3A_65] : memref<20480x128xf32, #tpu.memory_space<hbm>> -> memref<128x128xf32, #tpu.memory_space<hbm>>
      tpu.wait_dma2 semaphore(%run_scoped3A : memref<!tpu.dma_semaphore, #tpu.memory_space<semaphore_mem>>) src(%arg6 : memref<128x128xf32, #tpu.memory_space<vmem>>) dst(%dma_wait3A_66 : memref<128x128xf32, #tpu.memory_space<hbm>>)
      tpu.yield
    }) : () -> ()
    %mul3A_11 = arith.constant 5 : i32
    %mul3A_12 = arith.muli %add3A, %mul3A_11 : i32
    %add3A_13 = arith.constant 1 : i32
    %add3A_14 = arith.addi %mul3A_12, %add3A_13 : i32
    "tpu.region"() ({
      %run_scoped3A = tpu.sem_alloc : memref<!tpu.dma_semaphore, #tpu.memory_space<semaphore_mem>>
      %dma_start3A_59 = arith.constant 0 : i32
      %dma_start3A_60 = tpu.memref_slice %arg3[%add3A_14, %dma_start3A_59] : memref<160x128xi32, #tpu.memory_space<hbm>> -> memref<1x128xi32, #tpu.memory_space<hbm>>
      %dma_start3A_61 = tpu.memref_squeeze %dma_start3A_60 : memref<1x128xi32, #tpu.memory_space<hbm>> -> memref<128xi32, #tpu.memory_space<hbm>>
      %dma_start3A_62 = arith.constant 0 : i32
      %dma_start3A_63 = tpu.memref_slice %arg3[%add3A_14, %dma_start3A_62] : memref<160x128xi32, #tpu.memory_space<hbm>> -> memref<1x128xi32, #tpu.memory_space<hbm>>
      %dma_start3A_64 = tpu.memref_squeeze %dma_start3A_63 : memref<1x128xi32, #tpu.memory_space<hbm>> -> memref<128xi32, #tpu.memory_space<hbm>>
      tpu.enqueue_dma source(%dma_start3A_64 : memref<128xi32, #tpu.memory_space<hbm>>) target(%arg5 : memref<128xi32, #tpu.memory_space<vmem>>) target_semaphore(%run_scoped3A : memref<!tpu.dma_semaphore, #tpu.memory_space<semaphore_mem>>)
      %dma_wait3A_65 = arith.constant 0 : i32
      %dma_wait3A_66 = tpu.memref_slice %arg3[%add3A_14, %dma_wait3A_65] : memref<160x128xi32, #tpu.memory_space<hbm>> -> memref<1x128xi32, #tpu.memory_space<hbm>>
      %dma_wait3A_67 = tpu.memref_squeeze %dma_wait3A_66 : memref<1x128xi32, #tpu.memory_space<hbm>> -> memref<128xi32, #tpu.memory_space<hbm>>
      %dma_wait3A_68 = arith.constant 0 : i32
      %dma_wait3A_69 = tpu.memref_slice %arg3[%add3A_14, %dma_wait3A_68] : memref<160x128xi32, #tpu.memory_space<hbm>> -> memref<1x128xi32, #tpu.memory_space<hbm>>
      %dma_wait3A_70 = tpu.memref_squeeze %dma_wait3A_69 : memref<1x128xi32, #tpu.memory_space<hbm>> -> memref<128xi32, #tpu.memory_space<hbm>>
      tpu.wait_dma2 semaphore(%run_scoped3A : memref<!tpu.dma_semaphore, #tpu.memory_space<semaphore_mem>>) src(%dma_wait3A_70 : memref<128xi32, #tpu.memory_space<hbm>>) dst(%arg5 : memref<128xi32, #tpu.memory_space<vmem>>)
      tpu.yield
    }) : () -> ()
    %dma_start3A_15 = arith.constant 0 : i32
    %dma_start3A_16 = arith.constant 0 : i32
    %dma_start3A_17 = tpu.memref_slice %arg2[%dma_start3A_15, %dma_start3A_16] : memref<819200x128xf32, #tpu.memory_space<hbm>> -> memref<819200x128xf32, #tpu.memory_space<hbm>>
    tpu.enqueue_indirect_dma source(%dma_start3A_17 : memref<819200x128xf32, #tpu.memory_space<hbm>>) target(%arg6 : memref<128x128xf32, #tpu.memory_space<vmem>>) offsets(%arg5 : memref<128xi32, #tpu.memory_space<vmem>>) semaphore(%arg7 : memref<!tpu.dma_semaphore, #tpu.memory_space<semaphore_mem>>)
    %dma_wait3A_18 = arith.constant 0 : i32
    %dma_wait3A_19 = arith.constant 0 : i32
    %dma_wait3A_20 = tpu.memref_slice %arg2[%dma_wait3A_18, %dma_wait3A_19] : memref<819200x128xf32, #tpu.memory_space<hbm>> -> memref<819200x128xf32, #tpu.memory_space<hbm>>
    tpu.wait_indirect_dma semaphore(%arg7 : memref<!tpu.dma_semaphore, #tpu.memory_space<semaphore_mem>>) src(%dma_wait3A_20 : memref<819200x128xf32, #tpu.memory_space<hbm>>) dst(%arg6 : memref<128x128xf32, #tpu.memory_space<vmem>>)
    %mul3A_21 = arith.constant 128 : i32
    %mul3A_22 = arith.muli %add3A_14, %mul3A_21 : i32
    "tpu.region"() ({
      %run_scoped3A = tpu.sem_alloc : memref<!tpu.dma_semaphore, #tpu.memory_space<semaphore_mem>>
      %dma_start3A_59 = arith.constant 0 : i32
      %dma_start3A_60 = tpu.memref_slice %arg4[%mul3A_22, %dma_start3A_59] : memref<20480x128xf32, #tpu.memory_space<hbm>> -> memref<128x128xf32, #tpu.memory_space<hbm>>
      %dma_start3A_61 = arith.constant 0 : i32
      %dma_start3A_62 = tpu.memref_slice %arg4[%mul3A_22, %dma_start3A_61] : memref<20480x128xf32, #tpu.memory_space<hbm>> -> memref<128x128xf32, #tpu.memory_space<hbm>>
      tpu.enqueue_dma source(%arg6 : memref<128x128xf32, #tpu.memory_space<vmem>>) target(%dma_start3A_62 : memref<128x128xf32, #tpu.memory_space<hbm>>) target_semaphore(%run_scoped3A : memref<!tpu.dma_semaphore, #tpu.memory_space<semaphore_mem>>)
      %dma_wait3A_63 = arith.constant 0 : i32
      %dma_wait3A_64 = tpu.memref_slice %arg4[%mul3A_22, %dma_wait3A_63] : memref<20480x128xf32, #tpu.memory_space<hbm>> -> memref<128x128xf32, #tpu.memory_space<hbm>>
      %dma_wait3A_65 = arith.constant 0 : i32
      %dma_wait3A_66 = tpu.memref_slice %arg4[%mul3A_22, %dma_wait3A_65] : memref<20480x128xf32, #tpu.memory_space<hbm>> -> memref<128x128xf32, #tpu.memory_space<hbm>>
      tpu.wait_dma2 semaphore(%run_scoped3A : memref<!tpu.dma_semaphore, #tpu.memory_space<semaphore_mem>>) src(%arg6 : memref<128x128xf32, #tpu.memory_space<vmem>>) dst(%dma_wait3A_66 : memref<128x128xf32, #tpu.memory_space<hbm>>)
      tpu.yield
    }) : () -> ()
    %mul3A_23 = arith.constant 5 : i32
    %mul3A_24 = arith.muli %add3A, %mul3A_23 : i32
    %add3A_25 = arith.constant 2 : i32
    %add3A_26 = arith.addi %mul3A_24, %add3A_25 : i32
    "tpu.region"() ({
      %run_scoped3A = tpu.sem_alloc : memref<!tpu.dma_semaphore, #tpu.memory_space<semaphore_mem>>
      %dma_start3A_59 = arith.constant 0 : i32
      %dma_start3A_60 = tpu.memref_slice %arg3[%add3A_26, %dma_start3A_59] : memref<160x128xi32, #tpu.memory_space<hbm>> -> memref<1x128xi32, #tpu.memory_space<hbm>>
      %dma_start3A_61 = tpu.memref_squeeze %dma_start3A_60 : memref<1x128xi32, #tpu.memory_space<hbm>> -> memref<128xi32, #tpu.memory_space<hbm>>
      %dma_start3A_62 = arith.constant 0 : i32
      %dma_start3A_63 = tpu.memref_slice %arg3[%add3A_26, %dma_start3A_62] : memref<160x128xi32, #tpu.memory_space<hbm>> -> memref<1x128xi32, #tpu.memory_space<hbm>>
      %dma_start3A_64 = tpu.memref_squeeze %dma_start3A_63 : memref<1x128xi32, #tpu.memory_space<hbm>> -> memref<128xi32, #tpu.memory_space<hbm>>
      tpu.enqueue_dma source(%dma_start3A_64 : memref<128xi32, #tpu.memory_space<hbm>>) target(%arg5 : memref<128xi32, #tpu.memory_space<vmem>>) target_semaphore(%run_scoped3A : memref<!tpu.dma_semaphore, #tpu.memory_space<semaphore_mem>>)
      %dma_wait3A_65 = arith.constant 0 : i32
      %dma_wait3A_66 = tpu.memref_slice %arg3[%add3A_26, %dma_wait3A_65] : memref<160x128xi32, #tpu.memory_space<hbm>> -> memref<1x128xi32, #tpu.memory_space<hbm>>
      %dma_wait3A_67 = tpu.memref_squeeze %dma_wait3A_66 : memref<1x128xi32, #tpu.memory_space<hbm>> -> memref<128xi32, #tpu.memory_space<hbm>>
      %dma_wait3A_68 = arith.constant 0 : i32
      %dma_wait3A_69 = tpu.memref_slice %arg3[%add3A_26, %dma_wait3A_68] : memref<160x128xi32, #tpu.memory_space<hbm>> -> memref<1x128xi32, #tpu.memory_space<hbm>>
      %dma_wait3A_70 = tpu.memref_squeeze %dma_wait3A_69 : memref<1x128xi32, #tpu.memory_space<hbm>> -> memref<128xi32, #tpu.memory_space<hbm>>
      tpu.wait_dma2 semaphore(%run_scoped3A : memref<!tpu.dma_semaphore, #tpu.memory_space<semaphore_mem>>) src(%dma_wait3A_70 : memref<128xi32, #tpu.memory_space<hbm>>) dst(%arg5 : memref<128xi32, #tpu.memory_space<vmem>>)
      tpu.yield
    }) : () -> ()
    %dma_start3A_27 = arith.constant 0 : i32
    %dma_start3A_28 = arith.constant 0 : i32
    %dma_start3A_29 = tpu.memref_slice %arg2[%dma_start3A_27, %dma_start3A_28] : memref<819200x128xf32, #tpu.memory_space<hbm>> -> memref<819200x128xf32, #tpu.memory_space<hbm>>
    tpu.enqueue_indirect_dma source(%dma_start3A_29 : memref<819200x128xf32, #tpu.memory_space<hbm>>) target(%arg6 : memref<128x128xf32, #tpu.memory_space<vmem>>) offsets(%arg5 : memref<128xi32, #tpu.memory_space<vmem>>) semaphore(%arg7 : memref<!tpu.dma_semaphore, #tpu.memory_space<semaphore_mem>>)
    %dma_wait3A_30 = arith.constant 0 : i32
    %dma_wait3A_31 = arith.constant 0 : i32
    %dma_wait3A_32 = tpu.memref_slice %arg2[%dma_wait3A_30, %dma_wait3A_31] : memref<819200x128xf32, #tpu.memory_space<hbm>> -> memref<819200x128xf32, #tpu.memory_space<hbm>>
    tpu.wait_indirect_dma semaphore(%arg7 : memref<!tpu.dma_semaphore, #tpu.memory_space<semaphore_mem>>) src(%dma_wait3A_32 : memref<819200x128xf32, #tpu.memory_space<hbm>>) dst(%arg6 : memref<128x128xf32, #tpu.memory_space<vmem>>)
    %mul3A_33 = arith.constant 128 : i32
    %mul3A_34 = arith.muli %add3A_26, %mul3A_33 : i32
    "tpu.region"() ({
      %run_scoped3A = tpu.sem_alloc : memref<!tpu.dma_semaphore, #tpu.memory_space<semaphore_mem>>
      %dma_start3A_59 = arith.constant 0 : i32
      %dma_start3A_60 = tpu.memref_slice %arg4[%mul3A_34, %dma_start3A_59] : memref<20480x128xf32, #tpu.memory_space<hbm>> -> memref<128x128xf32, #tpu.memory_space<hbm>>
      %dma_start3A_61 = arith.constant 0 : i32
      %dma_start3A_62 = tpu.memref_slice %arg4[%mul3A_34, %dma_start3A_61] : memref<20480x128xf32, #tpu.memory_space<hbm>> -> memref<128x128xf32, #tpu.memory_space<hbm>>
      tpu.enqueue_dma source(%arg6 : memref<128x128xf32, #tpu.memory_space<vmem>>) target(%dma_start3A_62 : memref<128x128xf32, #tpu.memory_space<hbm>>) target_semaphore(%run_scoped3A : memref<!tpu.dma_semaphore, #tpu.memory_space<semaphore_mem>>)
      %dma_wait3A_63 = arith.constant 0 : i32
      %dma_wait3A_64 = tpu.memref_slice %arg4[%mul3A_34, %dma_wait3A_63] : memref<20480x128xf32, #tpu.memory_space<hbm>> -> memref<128x128xf32, #tpu.memory_space<hbm>>
      %dma_wait3A_65 = arith.constant 0 : i32
      %dma_wait3A_66 = tpu.memref_slice %arg4[%mul3A_34, %dma_wait3A_65] : memref<20480x128xf32, #tpu.memory_space<hbm>> -> memref<128x128xf32, #tpu.memory_space<hbm>>
      tpu.wait_dma2 semaphore(%run_scoped3A : memref<!tpu.dma_semaphore, #tpu.memory_space<semaphore_mem>>) src(%arg6 : memref<128x128xf32, #tpu.memory_space<vmem>>) dst(%dma_wait3A_66 : memref<128x128xf32, #tpu.memory_space<hbm>>)
      tpu.yield
    }) : () -> ()
    %mul3A_35 = arith.constant 5 : i32
    %mul3A_36 = arith.muli %add3A, %mul3A_35 : i32
    %add3A_37 = arith.constant 3 : i32
    %add3A_38 = arith.addi %mul3A_36, %add3A_37 : i32
    "tpu.region"() ({
      %run_scoped3A = tpu.sem_alloc : memref<!tpu.dma_semaphore, #tpu.memory_space<semaphore_mem>>
      %dma_start3A_59 = arith.constant 0 : i32
      %dma_start3A_60 = tpu.memref_slice %arg3[%add3A_38, %dma_start3A_59] : memref<160x128xi32, #tpu.memory_space<hbm>> -> memref<1x128xi32, #tpu.memory_space<hbm>>
      %dma_start3A_61 = tpu.memref_squeeze %dma_start3A_60 : memref<1x128xi32, #tpu.memory_space<hbm>> -> memref<128xi32, #tpu.memory_space<hbm>>
      %dma_start3A_62 = arith.constant 0 : i32
      %dma_start3A_63 = tpu.memref_slice %arg3[%add3A_38, %dma_start3A_62] : memref<160x128xi32, #tpu.memory_space<hbm>> -> memref<1x128xi32, #tpu.memory_space<hbm>>
      %dma_start3A_64 = tpu.memref_squeeze %dma_start3A_63 : memref<1x128xi32, #tpu.memory_space<hbm>> -> memref<128xi32, #tpu.memory_space<hbm>>
      tpu.enqueue_dma source(%dma_start3A_64 : memref<128xi32, #tpu.memory_space<hbm>>) target(%arg5 : memref<128xi32, #tpu.memory_space<vmem>>) target_semaphore(%run_scoped3A : memref<!tpu.dma_semaphore, #tpu.memory_space<semaphore_mem>>)
      %dma_wait3A_65 = arith.constant 0 : i32
      %dma_wait3A_66 = tpu.memref_slice %arg3[%add3A_38, %dma_wait3A_65] : memref<160x128xi32, #tpu.memory_space<hbm>> -> memref<1x128xi32, #tpu.memory_space<hbm>>
      %dma_wait3A_67 = tpu.memref_squeeze %dma_wait3A_66 : memref<1x128xi32, #tpu.memory_space<hbm>> -> memref<128xi32, #tpu.memory_space<hbm>>
      %dma_wait3A_68 = arith.constant 0 : i32
      %dma_wait3A_69 = tpu.memref_slice %arg3[%add3A_38, %dma_wait3A_68] : memref<160x128xi32, #tpu.memory_space<hbm>> -> memref<1x128xi32, #tpu.memory_space<hbm>>
      %dma_wait3A_70 = tpu.memref_squeeze %dma_wait3A_69 : memref<1x128xi32, #tpu.memory_space<hbm>> -> memref<128xi32, #tpu.memory_space<hbm>>
      tpu.wait_dma2 semaphore(%run_scoped3A : memref<!tpu.dma_semaphore, #tpu.memory_space<semaphore_mem>>) src(%dma_wait3A_70 : memref<128xi32, #tpu.memory_space<hbm>>) dst(%arg5 : memref<128xi32, #tpu.memory_space<vmem>>)
      tpu.yield
    }) : () -> ()
    %dma_start3A_39 = arith.constant 0 : i32
    %dma_start3A_40 = arith.constant 0 : i32
    %dma_start3A_41 = tpu.memref_slice %arg2[%dma_start3A_39, %dma_start3A_40] : memref<819200x128xf32, #tpu.memory_space<hbm>> -> memref<819200x128xf32, #tpu.memory_space<hbm>>
    tpu.enqueue_indirect_dma source(%dma_start3A_41 : memref<819200x128xf32, #tpu.memory_space<hbm>>) target(%arg6 : memref<128x128xf32, #tpu.memory_space<vmem>>) offsets(%arg5 : memref<128xi32, #tpu.memory_space<vmem>>) semaphore(%arg7 : memref<!tpu.dma_semaphore, #tpu.memory_space<semaphore_mem>>)
    %dma_wait3A_42 = arith.constant 0 : i32
    %dma_wait3A_43 = arith.constant 0 : i32
    %dma_wait3A_44 = tpu.memref_slice %arg2[%dma_wait3A_42, %dma_wait3A_43] : memref<819200x128xf32, #tpu.memory_space<hbm>> -> memref<819200x128xf32, #tpu.memory_space<hbm>>
    tpu.wait_indirect_dma semaphore(%arg7 : memref<!tpu.dma_semaphore, #tpu.memory_space<semaphore_mem>>) src(%dma_wait3A_44 : memref<819200x128xf32, #tpu.memory_space<hbm>>) dst(%arg6 : memref<128x128xf32, #tpu.memory_space<vmem>>)
    %mul3A_45 = arith.constant 128 : i32
    %mul3A_46 = arith.muli %add3A_38, %mul3A_45 : i32
    "tpu.region"() ({
      %run_scoped3A = tpu.sem_alloc : memref<!tpu.dma_semaphore, #tpu.memory_space<semaphore_mem>>
      %dma_start3A_59 = arith.constant 0 : i32
      %dma_start3A_60 = tpu.memref_slice %arg4[%mul3A_46, %dma_start3A_59] : memref<20480x128xf32, #tpu.memory_space<hbm>> -> memref<128x128xf32, #tpu.memory_space<hbm>>
      %dma_start3A_61 = arith.constant 0 : i32
      %dma_start3A_62 = tpu.memref_slice %arg4[%mul3A_46, %dma_start3A_61] : memref<20480x128xf32, #tpu.memory_space<hbm>> -> memref<128x128xf32, #tpu.memory_space<hbm>>
      tpu.enqueue_dma source(%arg6 : memref<128x128xf32, #tpu.memory_space<vmem>>) target(%dma_start3A_62 : memref<128x128xf32, #tpu.memory_space<hbm>>) target_semaphore(%run_scoped3A : memref<!tpu.dma_semaphore, #tpu.memory_space<semaphore_mem>>)
      %dma_wait3A_63 = arith.constant 0 : i32
      %dma_wait3A_64 = tpu.memref_slice %arg4[%mul3A_46, %dma_wait3A_63] : memref<20480x128xf32, #tpu.memory_space<hbm>> -> memref<128x128xf32, #tpu.memory_space<hbm>>
      %dma_wait3A_65 = arith.constant 0 : i32
      %dma_wait3A_66 = tpu.memref_slice %arg4[%mul3A_46, %dma_wait3A_65] : memref<20480x128xf32, #tpu.memory_space<hbm>> -> memref<128x128xf32, #tpu.memory_space<hbm>>
      tpu.wait_dma2 semaphore(%run_scoped3A : memref<!tpu.dma_semaphore, #tpu.memory_space<semaphore_mem>>) src(%arg6 : memref<128x128xf32, #tpu.memory_space<vmem>>) dst(%dma_wait3A_66 : memref<128x128xf32, #tpu.memory_space<hbm>>)
      tpu.yield
    }) : () -> ()
    %mul3A_47 = arith.constant 5 : i32
    %mul3A_48 = arith.muli %add3A, %mul3A_47 : i32
    %add3A_49 = arith.constant 4 : i32
    %add3A_50 = arith.addi %mul3A_48, %add3A_49 : i32
    "tpu.region"() ({
      %run_scoped3A = tpu.sem_alloc : memref<!tpu.dma_semaphore, #tpu.memory_space<semaphore_mem>>
      %dma_start3A_59 = arith.constant 0 : i32
      %dma_start3A_60 = tpu.memref_slice %arg3[%add3A_50, %dma_start3A_59] : memref<160x128xi32, #tpu.memory_space<hbm>> -> memref<1x128xi32, #tpu.memory_space<hbm>>
      %dma_start3A_61 = tpu.memref_squeeze %dma_start3A_60 : memref<1x128xi32, #tpu.memory_space<hbm>> -> memref<128xi32, #tpu.memory_space<hbm>>
      %dma_start3A_62 = arith.constant 0 : i32
      %dma_start3A_63 = tpu.memref_slice %arg3[%add3A_50, %dma_start3A_62] : memref<160x128xi32, #tpu.memory_space<hbm>> -> memref<1x128xi32, #tpu.memory_space<hbm>>
      %dma_start3A_64 = tpu.memref_squeeze %dma_start3A_63 : memref<1x128xi32, #tpu.memory_space<hbm>> -> memref<128xi32, #tpu.memory_space<hbm>>
      tpu.enqueue_dma source(%dma_start3A_64 : memref<128xi32, #tpu.memory_space<hbm>>) target(%arg5 : memref<128xi32, #tpu.memory_space<vmem>>) target_semaphore(%run_scoped3A : memref<!tpu.dma_semaphore, #tpu.memory_space<semaphore_mem>>)
      %dma_wait3A_65 = arith.constant 0 : i32
      %dma_wait3A_66 = tpu.memref_slice %arg3[%add3A_50, %dma_wait3A_65] : memref<160x128xi32, #tpu.memory_space<hbm>> -> memref<1x128xi32, #tpu.memory_space<hbm>>
      %dma_wait3A_67 = tpu.memref_squeeze %dma_wait3A_66 : memref<1x128xi32, #tpu.memory_space<hbm>> -> memref<128xi32, #tpu.memory_space<hbm>>
      %dma_wait3A_68 = arith.constant 0 : i32
      %dma_wait3A_69 = tpu.memref_slice %arg3[%add3A_50, %dma_wait3A_68] : memref<160x128xi32, #tpu.memory_space<hbm>> -> memref<1x128xi32, #tpu.memory_space<hbm>>
      %dma_wait3A_70 = tpu.memref_squeeze %dma_wait3A_69 : memref<1x128xi32, #tpu.memory_space<hbm>> -> memref<128xi32, #tpu.memory_space<hbm>>
      tpu.wait_dma2 semaphore(%run_scoped3A : memref<!tpu.dma_semaphore, #tpu.memory_space<semaphore_mem>>) src(%dma_wait3A_70 : memref<128xi32, #tpu.memory_space<hbm>>) dst(%arg5 : memref<128xi32, #tpu.memory_space<vmem>>)
      tpu.yield
    }) : () -> ()
    %dma_start3A_51 = arith.constant 0 : i32
    %dma_start3A_52 = arith.constant 0 : i32
    %dma_start3A_53 = tpu.memref_slice %arg2[%dma_start3A_51, %dma_start3A_52] : memref<819200x128xf32, #tpu.memory_space<hbm>> -> memref<819200x128xf32, #tpu.memory_space<hbm>>
    tpu.enqueue_indirect_dma source(%dma_start3A_53 : memref<819200x128xf32, #tpu.memory_space<hbm>>) target(%arg6 : memref<128x128xf32, #tpu.memory_space<vmem>>) offsets(%arg5 : memref<128xi32, #tpu.memory_space<vmem>>) semaphore(%arg7 : memref<!tpu.dma_semaphore, #tpu.memory_space<semaphore_mem>>)
    %dma_wait3A_54 = arith.constant 0 : i32
    %dma_wait3A_55 = arith.constant 0 : i32
    %dma_wait3A_56 = tpu.memref_slice %arg2[%dma_wait3A_54, %dma_wait3A_55] : memref<819200x128xf32, #tpu.memory_space<hbm>> -> memref<819200x128xf32, #tpu.memory_space<hbm>>
    tpu.wait_indirect_dma semaphore(%arg7 : memref<!tpu.dma_semaphore, #tpu.memory_space<semaphore_mem>>) src(%dma_wait3A_56 : memref<819200x128xf32, #tpu.memory_space<hbm>>) dst(%arg6 : memref<128x128xf32, #tpu.memory_space<vmem>>)
    %mul3A_57 = arith.constant 128 : i32
    %mul3A_58 = arith.muli %add3A_50, %mul3A_57 : i32
    "tpu.region"() ({
      %run_scoped3A = tpu.sem_alloc : memref<!tpu.dma_semaphore, #tpu.memory_space<semaphore_mem>>
      %dma_start3A_59 = arith.constant 0 : i32
      %dma_start3A_60 = tpu.memref_slice %arg4[%mul3A_58, %dma_start3A_59] : memref<20480x128xf32, #tpu.memory_space<hbm>> -> memref<128x128xf32, #tpu.memory_space<hbm>>
      %dma_start3A_61 = arith.constant 0 : i32
      %dma_start3A_62 = tpu.memref_slice %arg4[%mul3A_58, %dma_start3A_61] : memref<20480x128xf32, #tpu.memory_space<hbm>> -> memref<128x128xf32, #tpu.memory_space<hbm>>
      tpu.enqueue_dma source(%arg6 : memref<128x128xf32, #tpu.memory_space<vmem>>) target(%dma_start3A_62 : memref<128x128xf32, #tpu.memory_space<hbm>>) target_semaphore(%run_scoped3A : memref<!tpu.dma_semaphore, #tpu.memory_space<semaphore_mem>>)
      %dma_wait3A_63 = arith.constant 0 : i32
      %dma_wait3A_64 = tpu.memref_slice %arg4[%mul3A_58, %dma_wait3A_63] : memref<20480x128xf32, #tpu.memory_space<hbm>> -> memref<128x128xf32, #tpu.memory_space<hbm>>
      %dma_wait3A_65 = arith.constant 0 : i32
      %dma_wait3A_66 = tpu.memref_slice %arg4[%mul3A_58, %dma_wait3A_65] : memref<20480x128xf32, #tpu.memory_space<hbm>> -> memref<128x128xf32, #tpu.memory_space<hbm>>
      tpu.wait_dma2 semaphore(%run_scoped3A : memref<!tpu.dma_semaphore, #tpu.memory_space<semaphore_mem>>) src(%arg6 : memref<128x128xf32, #tpu.memory_space<vmem>>) dst(%dma_wait3A_66 : memref<128x128xf32, #tpu.memory_space<hbm>>)
      tpu.yield
    }) : () -> ()
    return
  }
}

module attributes {stable_mosaic.version = 14 : i64} {
  func.func @_scores_body(%arg0: i32, %arg1: i32, %arg2: memref<256x64xf32, #tpu.memory_space<vmem>>, %arg3: memref<2048x64xf32, #tpu.memory_space<vmem>>, %arg4: memref<256x2048xf32, #tpu.memory_space<vmem>>, %arg5: memref<1x256x16xf32, #tpu.memory_space<vmem>>) attributes {dimension_semantics = [#tpu.dimension_semantics<arbitrary>, #tpu.dimension_semantics<arbitrary>], iteration_bounds = array<i64: 50, 4>, scalar_prefetch = 0 : i64, scratch_operands = 0 : i64, tpu.core_type = #tpu.core_type<tc>, window_params = [{transform_indices = @transform_0, window_bounds = array<i64: 256, 64>}, {transform_indices = @transform_1, window_bounds = array<i64: 2048, 64>}, {transform_indices = @transform_2, window_bounds = array<i64: 256, 2048>}, {transform_indices = @transform_3, window_bounds = array<i64: 1, 256, 16>}]} {
    %get3A = arith.constant 0 : index
    %get3A_0 = arith.constant 0 : index
    %get3A_1 = vector.load %arg2[%get3A, %get3A_0] : memref<256x64xf32, #tpu.memory_space<vmem>>, vector<256x64xf32>
    %get3A_2 = arith.constant 0 : index
    %get3A_3 = arith.constant 0 : index
    %get3A_4 = vector.load %arg3[%get3A_2, %get3A_3] : memref<2048x64xf32, #tpu.memory_space<vmem>>, vector<2048x64xf32>
    %dot_general3A = arith.constant dense<0.000000e+00> : vector<256x2048xf32>
    %dot_general3A_5 = tpu.matmul %get3A_1, %get3A_4, %dot_general3A {dimension_numbers = #tpu.dot_dimension_numbers<[1], [1], [0], [0], [0, 0, 1, 0], [], []>, transpose_lhs_hint = false} : vector<256x64xf32>, vector<2048x64xf32>, vector<256x2048xf32> -> vector<256x2048xf32>
    %mul3A = arith.constant 2048 : i32
    %mul3A_6 = arith.muli %arg0, %mul3A : i32
    %iota3A = tpu.iota {dimensions = array<i32: 1>} : vector<256x2048xi32>
    %add3A = vector.broadcast %mul3A_6 : i32 to vector<256x2048xi32>
    %add3A_7 = arith.addi %add3A, %iota3A : vector<256x2048xi32>
    %lt3A = arith.constant 100000 : i32
    %lt3A_8 = vector.broadcast %lt3A : i32 to vector<256x2048xi32>
    %lt3A_9 = arith.cmpi slt, %add3A_7, %lt3A_8 : vector<256x2048xi32>
    %jit3A = arith.constant -1.000000e+30 : f32
    %broadcast_in_dim3A = vector.broadcast %jit3A : f32 to vector<256x2048xf32>
    %select_n3A = arith.select %lt3A_9, %dot_general3A_5, %broadcast_in_dim3A : vector<256x2048xi1>, vector<256x2048xf32>
    %swap3A = arith.constant 0 : index
    %swap3A_10 = arith.constant 0 : index
    %swap3A_11 = vector.load %arg4[%swap3A, %swap3A_10] : memref<256x2048xf32, #tpu.memory_space<vmem>>, vector<256x2048xf32>
    tpu.vector_store %arg4[%swap3A, %swap3A_10], %select_n3A {strides = array<i32>} : memref<256x2048xf32, #tpu.memory_space<vmem>>, vector<256x2048xf32>,
    %reshape3A = vector.shape_cast %select_n3A : vector<256x2048xf32> to vector<256x16x128xf32>
    %reduce_max3A = arith.constant dense<0xFF800000> : vector<256x16xf32>
    %reduce_max3A_12 = vector.multi_reduction <maximumf>, %reshape3A, %reduce_max3A [2] : vector<256x16x128xf32> to vector<256x16xf32>
    %swap3A_13 = arith.constant 0 : index
    %swap3A_14 = arith.constant 0 : index
    %swap3A_15 = arith.constant 0 : index
    %swap3A_16 = vector.load %arg5[%swap3A_13, %swap3A_14, %swap3A_15] : memref<1x256x16xf32, #tpu.memory_space<vmem>>, vector<1x256x16xf32>
    %swap3A_17 = vector.shape_cast %swap3A_16 : vector<1x256x16xf32> to vector<256x16xf32>
    %swap3A_18 = vector.shape_cast %reduce_max3A_12 : vector<256x16xf32> to vector<1x256x16xf32>
    tpu.vector_store %arg5[%swap3A_13, %swap3A_14, %swap3A_15], %swap3A_18 {strides = array<i32>} : memref<1x256x16xf32, #tpu.memory_space<vmem>>, vector<1x256x16xf32>,
    return
  }
  func.func @transform_0(%arg0: i32, %arg1: i32) -> (i32, i32) {
    %c0_i32 = arith.constant 0 : i32
    %c0_i32_0 = arith.constant 0 : i32
    return %arg1, %c0_i32 : i32, i32
  }
  func.func @transform_1(%arg0: i32, %arg1: i32) -> (i32, i32) {
    %c0_i32 = arith.constant 0 : i32
    %c0_i32_0 = arith.constant 0 : i32
    return %arg0, %c0_i32 : i32, i32
  }
  func.func @transform_2(%arg0: i32, %arg1: i32) -> (i32, i32) {
    %c0_i32 = arith.constant 0 : i32
    return %arg1, %arg0 : i32, i32
  }
  func.func @transform_3(%arg0: i32, %arg1: i32) -> (i32, i32, i32) {
    %c0_i32 = arith.constant 0 : i32
    %c0_i32_0 = arith.constant 0 : i32
    return %arg0, %arg1, %c0_i32 : i32, i32, i32
  }
}

module attributes {stable_mosaic.version = 14 : i64} {
  func.func @_l1_body(%arg0: i32, %arg1: memref<128x800xf32, #tpu.memory_space<vmem>>, %arg2: memref<128x128xi32, #tpu.memory_space<vmem>>) attributes {dimension_semantics = [#tpu.dimension_semantics<arbitrary>], iteration_bounds = array<i64: 8>, scalar_prefetch = 0 : i64, scratch_operands = 0 : i64, tpu.core_type = #tpu.core_type<tc>, window_params = [{transform_indices = @transform_0, window_bounds = array<i64: 128, 800>}, {transform_indices = @transform_1, window_bounds = array<i64: 128, 128>}]} {
    %get3A = arith.constant 0 : index
    %get3A_0 = arith.constant 0 : index
    %get3A_1 = vector.load %arg1[%get3A, %get3A_0] : memref<128x800xf32, #tpu.memory_space<vmem>>, vector<128x800xf32>
    %iota3A = tpu.iota {dimensions = array<i32: 1>} : vector<128x800xi32>
    %mul3A = arith.constant 128 : i32
    %mul3A_2 = arith.muli %arg0, %mul3A : i32
    %iota3A_3 = tpu.iota {dimensions = array<i32: 0>} : vector<128x1xi32>
    %add3A = vector.broadcast %mul3A_2 : i32 to vector<128x1xi32>
    %add3A_4 = arith.addi %add3A, %iota3A_3 : vector<128x1xi32>
    %mul3A_5 = arith.constant 800 : i32
    %mul3A_6 = vector.broadcast %mul3A_5 : i32 to vector<128x1xi32>
    %mul3A_7 = arith.muli %add3A_4, %mul3A_6 : vector<128x1xi32>
    %reduce_max3A = arith.constant dense<0xFF800000> : vector<128xf32>
    %reduce_max3A_8 = vector.multi_reduction <maximumf>, %get3A_1, %reduce_max3A [1] : vector<128x800xf32> to vector<128xf32>
    %broadcast_in_dim3A = vector.shape_cast %reduce_max3A_8 : vector<128xf32> to vector<128x1xf32>
    %eq3A = vector.broadcast %broadcast_in_dim3A : vector<128x1xf32> to vector<128x800xf32>
    %eq3A_9 = arith.cmpf oeq, %get3A_1, %eq3A : vector<128x800xf32>
    %jit3A = arith.constant 1073741824 : i32
    %broadcast_in_dim3A_10 = vector.broadcast %jit3A : i32 to vector<128x800xi32>
    %select_n3A = arith.select %eq3A_9, %iota3A, %broadcast_in_dim3A_10 : vector<128x800xi1>, vector<128x800xi32>
    %reduce_min3A = arith.constant dense<2147483647> : vector<128xi32>
    %reduce_min3A_11 = vector.multi_reduction <minsi>, %select_n3A, %reduce_min3A [1] : vector<128x800xi32> to vector<128xi32>
    %broadcast_in_dim3A_12 = vector.shape_cast %reduce_min3A_11 : vector<128xi32> to vector<128x1xi32>
    %add3A_13 = arith.addi %broadcast_in_dim3A_12, %mul3A_7 : vector<128x1xi32>
    %eq3A_14 = vector.broadcast %broadcast_in_dim3A_12 : vector<128x1xi32> to vector<128x800xi32>
    %eq3A_15 = arith.cmpi eq, %iota3A, %eq3A_14 : vector<128x800xi32>
    %jit3A_16 = arith.constant -3.000000e+38 : f32
    %broadcast_in_dim3A_17 = vector.broadcast %jit3A_16 : f32 to vector<128x800xf32>
    %select_n3A_18 = arith.select %eq3A_15, %broadcast_in_dim3A_17, %get3A_1 : vector<128x800xi1>, vector<128x800xf32>
    %reduce_max3A_19 = arith.constant dense<0xFF800000> : vector<128xf32>
    %reduce_max3A_20 = vector.multi_reduction <maximumf>, %select_n3A_18, %reduce_max3A_19 [1] : vector<128x800xf32> to vector<128xf32>
    %broadcast_in_dim3A_21 = vector.shape_cast %reduce_max3A_20 : vector<128xf32> to vector<128x1xf32>
    %eq3A_22 = vector.broadcast %broadcast_in_dim3A_21 : vector<128x1xf32> to vector<128x800xf32>
    %eq3A_23 = arith.cmpf oeq, %select_n3A_18, %eq3A_22 : vector<128x800xf32>
    %jit3A_24 = arith.constant 1073741824 : i32
    %broadcast_in_dim3A_25 = vector.broadcast %jit3A_24 : i32 to vector<128x800xi32>
    %select_n3A_26 = arith.select %eq3A_23, %iota3A, %broadcast_in_dim3A_25 : vector<128x800xi1>, vector<128x800xi32>
    %reduce_min3A_27 = arith.constant dense<2147483647> : vector<128xi32>
    %reduce_min3A_28 = vector.multi_reduction <minsi>, %select_n3A_26, %reduce_min3A_27 [1] : vector<128x800xi32> to vector<128xi32>
    %broadcast_in_dim3A_29 = vector.shape_cast %reduce_min3A_28 : vector<128xi32> to vector<128x1xi32>
    %add3A_30 = arith.addi %broadcast_in_dim3A_29, %mul3A_7 : vector<128x1xi32>
    %eq3A_31 = vector.broadcast %broadcast_in_dim3A_29 : vector<128x1xi32> to vector<128x800xi32>
    %eq3A_32 = arith.cmpi eq, %iota3A, %eq3A_31 : vector<128x800xi32>
    %jit3A_33 = arith.constant -3.000000e+38 : f32
    %broadcast_in_dim3A_34 = vector.broadcast %jit3A_33 : f32 to vector<128x800xf32>
    %select_n3A_35 = arith.select %eq3A_32, %broadcast_in_dim3A_34, %select_n3A_18 : vector<128x800xi1>, vector<128x800xf32>
    %reduce_max3A_36 = arith.constant dense<0xFF800000> : vector<128xf32>
    %reduce_max3A_37 = vector.multi_reduction <maximumf>, %select_n3A_35, %reduce_max3A_36 [1] : vector<128x800xf32> to vector<128xf32>
    %broadcast_in_dim3A_38 = vector.shape_cast %reduce_max3A_37 : vector<128xf32> to vector<128x1xf32>
    %eq3A_39 = vector.broadcast %broadcast_in_dim3A_38 : vector<128x1xf32> to vector<128x800xf32>
    %eq3A_40 = arith.cmpf oeq, %select_n3A_35, %eq3A_39 : vector<128x800xf32>
    %jit3A_41 = arith.constant 1073741824 : i32
    %broadcast_in_dim3A_42 = vector.broadcast %jit3A_41 : i32 to vector<128x800xi32>
    %select_n3A_43 = arith.select %eq3A_40, %iota3A, %broadcast_in_dim3A_42 : vector<128x800xi1>, vector<128x800xi32>
    %reduce_min3A_44 = arith.constant dense<2147483647> : vector<128xi32>
    %reduce_min3A_45 = vector.multi_reduction <minsi>, %select_n3A_43, %reduce_min3A_44 [1] : vector<128x800xi32> to vector<128xi32>
    %broadcast_in_dim3A_46 = vector.shape_cast %reduce_min3A_45 : vector<128xi32> to vector<128x1xi32>
    %add3A_47 = arith.addi %broadcast_in_dim3A_46, %mul3A_7 : vector<128x1xi32>
    %eq3A_48 = vector.broadcast %broadcast_in_dim3A_46 : vector<128x1xi32> to vector<128x800xi32>
    %eq3A_49 = arith.cmpi eq, %iota3A, %eq3A_48 : vector<128x800xi32>
    %jit3A_50 = arith.constant -3.000000e+38 : f32
    %broadcast_in_dim3A_51 = vector.broadcast %jit3A_50 : f32 to vector<128x800xf32>
    %select_n3A_52 = arith.select %eq3A_49, %broadcast_in_dim3A_51, %select_n3A_35 : vector<128x800xi1>, vector<128x800xf32>
    %reduce_max3A_53 = arith.constant dense<0xFF800000> : vector<128xf32>
    %reduce_max3A_54 = vector.multi_reduction <maximumf>, %select_n3A_52, %reduce_max3A_53 [1] : vector<128x800xf32> to vector<128xf32>
    %broadcast_in_dim3A_55 = vector.shape_cast %reduce_max3A_54 : vector<128xf32> to vector<128x1xf32>
    %eq3A_56 = vector.broadcast %broadcast_in_dim3A_55 : vector<128x1xf32> to vector<128x800xf32>
    %eq3A_57 = arith.cmpf oeq, %select_n3A_52, %eq3A_56 : vector<128x800xf32>
    %jit3A_58 = arith.constant 1073741824 : i32
    %broadcast_in_dim3A_59 = vector.broadcast %jit3A_58 : i32 to vector<128x800xi32>
    %select_n3A_60 = arith.select %eq3A_57, %iota3A, %broadcast_in_dim3A_59 : vector<128x800xi1>, vector<128x800xi32>
    %reduce_min3A_61 = arith.constant dense<2147483647> : vector<128xi32>
    %reduce_min3A_62 = vector.multi_reduction <minsi>, %select_n3A_60, %reduce_min3A_61 [1] : vector<128x800xi32> to vector<128xi32>
    %broadcast_in_dim3A_63 = vector.shape_cast %reduce_min3A_62 : vector<128xi32> to vector<128x1xi32>
    %add3A_64 = arith.addi %broadcast_in_dim3A_63, %mul3A_7 : vector<128x1xi32>
    %eq3A_65 = vector.broadcast %broadcast_in_dim3A_63 : vector<128x1xi32> to vector<128x800xi32>
    %eq3A_66 = arith.cmpi eq, %iota3A, %eq3A_65 : vector<128x800xi32>
    %jit3A_67 = arith.constant -3.000000e+38 : f32
    %broadcast_in_dim3A_68 = vector.broadcast %jit3A_67 : f32 to vector<128x800xf32>
    %select_n3A_69 = arith.select %eq3A_66, %broadcast_in_dim3A_68, %select_n3A_52 : vector<128x800xi1>, vector<128x800xf32>
    %reduce_max3A_70 = arith.constant dense<0xFF800000> : vector<128xf32>
    %reduce_max3A_71 = vector.multi_reduction <maximumf>, %select_n3A_69, %reduce_max3A_70 [1] : vector<128x800xf32> to vector<128xf32>
    %broadcast_in_dim3A_72 = vector.shape_cast %reduce_max3A_71 : vector<128xf32> to vector<128x1xf32>
    %eq3A_73 = vector.broadcast %broadcast_in_dim3A_72 : vector<128x1xf32> to vector<128x800xf32>
    %eq3A_74 = arith.cmpf oeq, %select_n3A_69, %eq3A_73 : vector<128x800xf32>
    %jit3A_75 = arith.constant 1073741824 : i32
    %broadcast_in_dim3A_76 = vector.broadcast %jit3A_75 : i32 to vector<128x800xi32>
    %select_n3A_77 = arith.select %eq3A_74, %iota3A, %broadcast_in_dim3A_76 : vector<128x800xi1>, vector<128x800xi32>
    %reduce_min3A_78 = arith.constant dense<2147483647> : vector<128xi32>
    %reduce_min3A_79 = vector.multi_reduction <minsi>, %select_n3A_77, %reduce_min3A_78 [1] : vector<128x800xi32> to vector<128xi32>
    %broadcast_in_dim3A_80 = vector.shape_cast %reduce_min3A_79 : vector<128xi32> to vector<128x1xi32>
    %add3A_81 = arith.addi %broadcast_in_dim3A_80, %mul3A_7 : vector<128x1xi32>
    %eq3A_82 = vector.broadcast %broadcast_in_dim3A_80 : vector<128x1xi32> to vector<128x800xi32>
    %eq3A_83 = arith.cmpi eq, %iota3A, %eq3A_82 : vector<128x800xi32>
    %jit3A_84 = arith.constant -3.000000e+38 : f32
    %broadcast_in_dim3A_85 = vector.broadcast %jit3A_84 : f32 to vector<128x800xf32>
    %select_n3A_86 = arith.select %eq3A_83, %broadcast_in_dim3A_85, %select_n3A_69 : vector<128x800xi1>, vector<128x800xf32>
    %reduce_max3A_87 = arith.constant dense<0xFF800000> : vector<128xf32>
    %reduce_max3A_88 = vector.multi_reduction <maximumf>, %select_n3A_86, %reduce_max3A_87 [1] : vector<128x800xf32> to vector<128xf32>
    %broadcast_in_dim3A_89 = vector.shape_cast %reduce_max3A_88 : vector<128xf32> to vector<128x1xf32>
    %eq3A_90 = vector.broadcast %broadcast_in_dim3A_89 : vector<128x1xf32> to vector<128x800xf32>
    %eq3A_91 = arith.cmpf oeq, %select_n3A_86, %eq3A_90 : vector<128x800xf32>
    %jit3A_92 = arith.constant 1073741824 : i32
    %broadcast_in_dim3A_93 = vector.broadcast %jit3A_92 : i32 to vector<128x800xi32>
    %select_n3A_94 = arith.select %eq3A_91, %iota3A, %broadcast_in_dim3A_93 : vector<128x800xi1>, vector<128x800xi32>
    %reduce_min3A_95 = arith.constant dense<2147483647> : vector<128xi32>
    %reduce_min3A_96 = vector.multi_reduction <minsi>, %select_n3A_94, %reduce_min3A_95 [1] : vector<128x800xi32> to vector<128xi32>
    %broadcast_in_dim3A_97 = vector.shape_cast %reduce_min3A_96 : vector<128xi32> to vector<128x1xi32>
    %add3A_98 = arith.addi %broadcast_in_dim3A_97, %mul3A_7 : vector<128x1xi32>
    %eq3A_99 = vector.broadcast %broadcast_in_dim3A_97 : vector<128x1xi32> to vector<128x800xi32>
    %eq3A_100 = arith.cmpi eq, %iota3A, %eq3A_99 : vector<128x800xi32>
    %jit3A_101 = arith.constant -3.000000e+38 : f32
    %broadcast_in_dim3A_102 = vector.broadcast %jit3A_101 : f32 to vector<128x800xf32>
    %select_n3A_103 = arith.select %eq3A_100, %broadcast_in_dim3A_102, %select_n3A_86 : vector<128x800xi1>, vector<128x800xf32>
    %reduce_max3A_104 = arith.constant dense<0xFF800000> : vector<128xf32>
    %reduce_max3A_105 = vector.multi_reduction <maximumf>, %select_n3A_103, %reduce_max3A_104 [1] : vector<128x800xf32> to vector<128xf32>
    %broadcast_in_dim3A_106 = vector.shape_cast %reduce_max3A_105 : vector<128xf32> to vector<128x1xf32>
    %eq3A_107 = vector.broadcast %broadcast_in_dim3A_106 : vector<128x1xf32> to vector<128x800xf32>
    %eq3A_108 = arith.cmpf oeq, %select_n3A_103, %eq3A_107 : vector<128x800xf32>
    %jit3A_109 = arith.constant 1073741824 : i32
    %broadcast_in_dim3A_110 = vector.broadcast %jit3A_109 : i32 to vector<128x800xi32>
    %select_n3A_111 = arith.select %eq3A_108, %iota3A, %broadcast_in_dim3A_110 : vector<128x800xi1>, vector<128x800xi32>
    %reduce_min3A_112 = arith.constant dense<2147483647> : vector<128xi32>
    %reduce_min3A_113 = vector.multi_reduction <minsi>, %select_n3A_111, %reduce_min3A_112 [1] : vector<128x800xi32> to vector<128xi32>
    %broadcast_in_dim3A_114 = vector.shape_cast %reduce_min3A_113 : vector<128xi32> to vector<128x1xi32>
    %add3A_115 = arith.addi %broadcast_in_dim3A_114, %mul3A_7 : vector<128x1xi32>
    %eq3A_116 = vector.broadcast %broadcast_in_dim3A_114 : vector<128x1xi32> to vector<128x800xi32>
    %eq3A_117 = arith.cmpi eq, %iota3A, %eq3A_116 : vector<128x800xi32>
    %jit3A_118 = arith.constant -3.000000e+38 : f32
    %broadcast_in_dim3A_119 = vector.broadcast %jit3A_118 : f32 to vector<128x800xf32>
    %select_n3A_120 = arith.select %eq3A_117, %broadcast_in_dim3A_119, %select_n3A_103 : vector<128x800xi1>, vector<128x800xf32>
    %reduce_max3A_121 = arith.constant dense<0xFF800000> : vector<128xf32>
    %reduce_max3A_122 = vector.multi_reduction <maximumf>, %select_n3A_120, %reduce_max3A_121 [1] : vector<128x800xf32> to vector<128xf32>
    %broadcast_in_dim3A_123 = vector.shape_cast %reduce_max3A_122 : vector<128xf32> to vector<128x1xf32>
    %eq3A_124 = vector.broadcast %broadcast_in_dim3A_123 : vector<128x1xf32> to vector<128x800xf32>
    %eq3A_125 = arith.cmpf oeq, %select_n3A_120, %eq3A_124 : vector<128x800xf32>
    %jit3A_126 = arith.constant 1073741824 : i32
    %broadcast_in_dim3A_127 = vector.broadcast %jit3A_126 : i32 to vector<128x800xi32>
    %select_n3A_128 = arith.select %eq3A_125, %iota3A, %broadcast_in_dim3A_127 : vector<128x800xi1>, vector<128x800xi32>
    %reduce_min3A_129 = arith.constant dense<2147483647> : vector<128xi32>
    %reduce_min3A_130 = vector.multi_reduction <minsi>, %select_n3A_128, %reduce_min3A_129 [1] : vector<128x800xi32> to vector<128xi32>
    %broadcast_in_dim3A_131 = vector.shape_cast %reduce_min3A_130 : vector<128xi32> to vector<128x1xi32>
    %add3A_132 = arith.addi %broadcast_in_dim3A_131, %mul3A_7 : vector<128x1xi32>
    %eq3A_133 = vector.broadcast %broadcast_in_dim3A_131 : vector<128x1xi32> to vector<128x800xi32>
    %eq3A_134 = arith.cmpi eq, %iota3A, %eq3A_133 : vector<128x800xi32>
    %jit3A_135 = arith.constant -3.000000e+38 : f32
    %broadcast_in_dim3A_136 = vector.broadcast %jit3A_135 : f32 to vector<128x800xf32>
    %select_n3A_137 = arith.select %eq3A_134, %broadcast_in_dim3A_136, %select_n3A_120 : vector<128x800xi1>, vector<128x800xf32>
    %reduce_max3A_138 = arith.constant dense<0xFF800000> : vector<128xf32>
    %reduce_max3A_139 = vector.multi_reduction <maximumf>, %select_n3A_137, %reduce_max3A_138 [1] : vector<128x800xf32> to vector<128xf32>
    %broadcast_in_dim3A_140 = vector.shape_cast %reduce_max3A_139 : vector<128xf32> to vector<128x1xf32>
    %eq3A_141 = vector.broadcast %broadcast_in_dim3A_140 : vector<128x1xf32> to vector<128x800xf32>
    %eq3A_142 = arith.cmpf oeq, %select_n3A_137, %eq3A_141 : vector<128x800xf32>
    %jit3A_143 = arith.constant 1073741824 : i32
    %broadcast_in_dim3A_144 = vector.broadcast %jit3A_143 : i32 to vector<128x800xi32>
    %select_n3A_145 = arith.select %eq3A_142, %iota3A, %broadcast_in_dim3A_144 : vector<128x800xi1>, vector<128x800xi32>
    %reduce_min3A_146 = arith.constant dense<2147483647> : vector<128xi32>
    %reduce_min3A_147 = vector.multi_reduction <minsi>, %select_n3A_145, %reduce_min3A_146 [1] : vector<128x800xi32> to vector<128xi32>
    %broadcast_in_dim3A_148 = vector.shape_cast %reduce_min3A_147 : vector<128xi32> to vector<128x1xi32>
    %add3A_149 = arith.addi %broadcast_in_dim3A_148, %mul3A_7 : vector<128x1xi32>
    %eq3A_150 = vector.broadcast %broadcast_in_dim3A_148 : vector<128x1xi32> to vector<128x800xi32>
    %eq3A_151 = arith.cmpi eq, %iota3A, %eq3A_150 : vector<128x800xi32>
    %jit3A_152 = arith.constant -3.000000e+38 : f32
    %broadcast_in_dim3A_153 = vector.broadcast %jit3A_152 : f32 to vector<128x800xf32>
    %select_n3A_154 = arith.select %eq3A_151, %broadcast_in_dim3A_153, %select_n3A_137 : vector<128x800xi1>, vector<128x800xf32>
    %reduce_max3A_155 = arith.constant dense<0xFF800000> : vector<128xf32>
    %reduce_max3A_156 = vector.multi_reduction <maximumf>, %select_n3A_154, %reduce_max3A_155 [1] : vector<128x800xf32> to vector<128xf32>
    %broadcast_in_dim3A_157 = vector.shape_cast %reduce_max3A_156 : vector<128xf32> to vector<128x1xf32>
    %eq3A_158 = vector.broadcast %broadcast_in_dim3A_157 : vector<128x1xf32> to vector<128x800xf32>
    %eq3A_159 = arith.cmpf oeq, %select_n3A_154, %eq3A_158 : vector<128x800xf32>
    %jit3A_160 = arith.constant 1073741824 : i32
    %broadcast_in_dim3A_161 = vector.broadcast %jit3A_160 : i32 to vector<128x800xi32>
    %select_n3A_162 = arith.select %eq3A_159, %iota3A, %broadcast_in_dim3A_161 : vector<128x800xi1>, vector<128x800xi32>
    %reduce_min3A_163 = arith.constant dense<2147483647> : vector<128xi32>
    %reduce_min3A_164 = vector.multi_reduction <minsi>, %select_n3A_162, %reduce_min3A_163 [1] : vector<128x800xi32> to vector<128xi32>
    %broadcast_in_dim3A_165 = vector.shape_cast %reduce_min3A_164 : vector<128xi32> to vector<128x1xi32>
    %add3A_166 = arith.addi %broadcast_in_dim3A_165, %mul3A_7 : vector<128x1xi32>
    %eq3A_167 = vector.broadcast %broadcast_in_dim3A_165 : vector<128x1xi32> to vector<128x800xi32>
    %eq3A_168 = arith.cmpi eq, %iota3A, %eq3A_167 : vector<128x800xi32>
    %jit3A_169 = arith.constant -3.000000e+38 : f32
    %broadcast_in_dim3A_170 = vector.broadcast %jit3A_169 : f32 to vector<128x800xf32>
    %select_n3A_171 = arith.select %eq3A_168, %broadcast_in_dim3A_170, %select_n3A_154 : vector<128x800xi1>, vector<128x800xf32>
    %reduce_max3A_172 = arith.constant dense<0xFF800000> : vector<128xf32>
    %reduce_max3A_173 = vector.multi_reduction <maximumf>, %select_n3A_171, %reduce_max3A_172 [1] : vector<128x800xf32> to vector<128xf32>
    %broadcast_in_dim3A_174 = vector.shape_cast %reduce_max3A_173 : vector<128xf32> to vector<128x1xf32>
    %eq3A_175 = vector.broadcast %broadcast_in_dim3A_174 : vector<128x1xf32> to vector<128x800xf32>
    %eq3A_176 = arith.cmpf oeq, %select_n3A_171, %eq3A_175 : vector<128x800xf32>
    %jit3A_177 = arith.constant 1073741824 : i32
    %broadcast_in_dim3A_178 = vector.broadcast %jit3A_177 : i32 to vector<128x800xi32>
    %select_n3A_179 = arith.select %eq3A_176, %iota3A, %broadcast_in_dim3A_178 : vector<128x800xi1>, vector<128x800xi32>
    %reduce_min3A_180 = arith.constant dense<2147483647> : vector<128xi32>
    %reduce_min3A_181 = vector.multi_reduction <minsi>, %select_n3A_179, %reduce_min3A_180 [1] : vector<128x800xi32> to vector<128xi32>
    %broadcast_in_dim3A_182 = vector.shape_cast %reduce_min3A_181 : vector<128xi32> to vector<128x1xi32>
    %add3A_183 = arith.addi %broadcast_in_dim3A_182, %mul3A_7 : vector<128x1xi32>
    %eq3A_184 = vector.broadcast %broadcast_in_dim3A_182 : vector<128x1xi32> to vector<128x800xi32>
    %eq3A_185 = arith.cmpi eq, %iota3A, %eq3A_184 : vector<128x800xi32>
    %jit3A_186 = arith.constant -3.000000e+38 : f32
    %broadcast_in_dim3A_187 = vector.broadcast %jit3A_186 : f32 to vector<128x800xf32>
    %select_n3A_188 = arith.select %eq3A_185, %broadcast_in_dim3A_187, %select_n3A_171 : vector<128x800xi1>, vector<128x800xf32>
    %reduce_max3A_189 = arith.constant dense<0xFF800000> : vector<128xf32>
    %reduce_max3A_190 = vector.multi_reduction <maximumf>, %select_n3A_188, %reduce_max3A_189 [1] : vector<128x800xf32> to vector<128xf32>
    %broadcast_in_dim3A_191 = vector.shape_cast %reduce_max3A_190 : vector<128xf32> to vector<128x1xf32>
    %eq3A_192 = vector.broadcast %broadcast_in_dim3A_191 : vector<128x1xf32> to vector<128x800xf32>
    %eq3A_193 = arith.cmpf oeq, %select_n3A_188, %eq3A_192 : vector<128x800xf32>
    %jit3A_194 = arith.constant 1073741824 : i32
    %broadcast_in_dim3A_195 = vector.broadcast %jit3A_194 : i32 to vector<128x800xi32>
    %select_n3A_196 = arith.select %eq3A_193, %iota3A, %broadcast_in_dim3A_195 : vector<128x800xi1>, vector<128x800xi32>
    %reduce_min3A_197 = arith.constant dense<2147483647> : vector<128xi32>
    %reduce_min3A_198 = vector.multi_reduction <minsi>, %select_n3A_196, %reduce_min3A_197 [1] : vector<128x800xi32> to vector<128xi32>
    %broadcast_in_dim3A_199 = vector.shape_cast %reduce_min3A_198 : vector<128xi32> to vector<128x1xi32>
    %add3A_200 = arith.addi %broadcast_in_dim3A_199, %mul3A_7 : vector<128x1xi32>
    %eq3A_201 = vector.broadcast %broadcast_in_dim3A_199 : vector<128x1xi32> to vector<128x800xi32>
    %eq3A_202 = arith.cmpi eq, %iota3A, %eq3A_201 : vector<128x800xi32>
    %jit3A_203 = arith.constant -3.000000e+38 : f32
    %broadcast_in_dim3A_204 = vector.broadcast %jit3A_203 : f32 to vector<128x800xf32>
    %select_n3A_205 = arith.select %eq3A_202, %broadcast_in_dim3A_204, %select_n3A_188 : vector<128x800xi1>, vector<128x800xf32>
    %reduce_max3A_206 = arith.constant dense<0xFF800000> : vector<128xf32>
    %reduce_max3A_207 = vector.multi_reduction <maximumf>, %select_n3A_205, %reduce_max3A_206 [1] : vector<128x800xf32> to vector<128xf32>
    %broadcast_in_dim3A_208 = vector.shape_cast %reduce_max3A_207 : vector<128xf32> to vector<128x1xf32>
    %eq3A_209 = vector.broadcast %broadcast_in_dim3A_208 : vector<128x1xf32> to vector<128x800xf32>
    %eq3A_210 = arith.cmpf oeq, %select_n3A_205, %eq3A_209 : vector<128x800xf32>
    %jit3A_211 = arith.constant 1073741824 : i32
    %broadcast_in_dim3A_212 = vector.broadcast %jit3A_211 : i32 to vector<128x800xi32>
    %select_n3A_213 = arith.select %eq3A_210, %iota3A, %broadcast_in_dim3A_212 : vector<128x800xi1>, vector<128x800xi32>
    %reduce_min3A_214 = arith.constant dense<2147483647> : vector<128xi32>
    %reduce_min3A_215 = vector.multi_reduction <minsi>, %select_n3A_213, %reduce_min3A_214 [1] : vector<128x800xi32> to vector<128xi32>
    %broadcast_in_dim3A_216 = vector.shape_cast %reduce_min3A_215 : vector<128xi32> to vector<128x1xi32>
    %add3A_217 = arith.addi %broadcast_in_dim3A_216, %mul3A_7 : vector<128x1xi32>
    %eq3A_218 = vector.broadcast %broadcast_in_dim3A_216 : vector<128x1xi32> to vector<128x800xi32>
    %eq3A_219 = arith.cmpi eq, %iota3A, %eq3A_218 : vector<128x800xi32>
    %jit3A_220 = arith.constant -3.000000e+38 : f32
    %broadcast_in_dim3A_221 = vector.broadcast %jit3A_220 : f32 to vector<128x800xf32>
    %select_n3A_222 = arith.select %eq3A_219, %broadcast_in_dim3A_221, %select_n3A_205 : vector<128x800xi1>, vector<128x800xf32>
    %reduce_max3A_223 = arith.constant dense<0xFF800000> : vector<128xf32>
    %reduce_max3A_224 = vector.multi_reduction <maximumf>, %select_n3A_222, %reduce_max3A_223 [1] : vector<128x800xf32> to vector<128xf32>
    %broadcast_in_dim3A_225 = vector.shape_cast %reduce_max3A_224 : vector<128xf32> to vector<128x1xf32>
    %eq3A_226 = vector.broadcast %broadcast_in_dim3A_225 : vector<128x1xf32> to vector<128x800xf32>
    %eq3A_227 = arith.cmpf oeq, %select_n3A_222, %eq3A_226 : vector<128x800xf32>
    %jit3A_228 = arith.constant 1073741824 : i32
    %broadcast_in_dim3A_229 = vector.broadcast %jit3A_228 : i32 to vector<128x800xi32>
    %select_n3A_230 = arith.select %eq3A_227, %iota3A, %broadcast_in_dim3A_229 : vector<128x800xi1>, vector<128x800xi32>
    %reduce_min3A_231 = arith.constant dense<2147483647> : vector<128xi32>
    %reduce_min3A_232 = vector.multi_reduction <minsi>, %select_n3A_230, %reduce_min3A_231 [1] : vector<128x800xi32> to vector<128xi32>
    %broadcast_in_dim3A_233 = vector.shape_cast %reduce_min3A_232 : vector<128xi32> to vector<128x1xi32>
    %add3A_234 = arith.addi %broadcast_in_dim3A_233, %mul3A_7 : vector<128x1xi32>
    %eq3A_235 = vector.broadcast %broadcast_in_dim3A_233 : vector<128x1xi32> to vector<128x800xi32>
    %eq3A_236 = arith.cmpi eq, %iota3A, %eq3A_235 : vector<128x800xi32>
    %jit3A_237 = arith.constant -3.000000e+38 : f32
    %broadcast_in_dim3A_238 = vector.broadcast %jit3A_237 : f32 to vector<128x800xf32>
    %select_n3A_239 = arith.select %eq3A_236, %broadcast_in_dim3A_238, %select_n3A_222 : vector<128x800xi1>, vector<128x800xf32>
    %reduce_max3A_240 = arith.constant dense<0xFF800000> : vector<128xf32>
    %reduce_max3A_241 = vector.multi_reduction <maximumf>, %select_n3A_239, %reduce_max3A_240 [1] : vector<128x800xf32> to vector<128xf32>
    %broadcast_in_dim3A_242 = vector.shape_cast %reduce_max3A_241 : vector<128xf32> to vector<128x1xf32>
    %eq3A_243 = vector.broadcast %broadcast_in_dim3A_242 : vector<128x1xf32> to vector<128x800xf32>
    %eq3A_244 = arith.cmpf oeq, %select_n3A_239, %eq3A_243 : vector<128x800xf32>
    %jit3A_245 = arith.constant 1073741824 : i32
    %broadcast_in_dim3A_246 = vector.broadcast %jit3A_245 : i32 to vector<128x800xi32>
    %select_n3A_247 = arith.select %eq3A_244, %iota3A, %broadcast_in_dim3A_246 : vector<128x800xi1>, vector<128x800xi32>
    %reduce_min3A_248 = arith.constant dense<2147483647> : vector<128xi32>
    %reduce_min3A_249 = vector.multi_reduction <minsi>, %select_n3A_247, %reduce_min3A_248 [1] : vector<128x800xi32> to vector<128xi32>
    %broadcast_in_dim3A_250 = vector.shape_cast %reduce_min3A_249 : vector<128xi32> to vector<128x1xi32>
    %add3A_251 = arith.addi %broadcast_in_dim3A_250, %mul3A_7 : vector<128x1xi32>
    %eq3A_252 = vector.broadcast %broadcast_in_dim3A_250 : vector<128x1xi32> to vector<128x800xi32>
    %eq3A_253 = arith.cmpi eq, %iota3A, %eq3A_252 : vector<128x800xi32>
    %jit3A_254 = arith.constant -3.000000e+38 : f32
    %broadcast_in_dim3A_255 = vector.broadcast %jit3A_254 : f32 to vector<128x800xf32>
    %select_n3A_256 = arith.select %eq3A_253, %broadcast_in_dim3A_255, %select_n3A_239 : vector<128x800xi1>, vector<128x800xf32>
    %reduce_max3A_257 = arith.constant dense<0xFF800000> : vector<128xf32>
    %reduce_max3A_258 = vector.multi_reduction <maximumf>, %select_n3A_256, %reduce_max3A_257 [1] : vector<128x800xf32> to vector<128xf32>
    %broadcast_in_dim3A_259 = vector.shape_cast %reduce_max3A_258 : vector<128xf32> to vector<128x1xf32>
    %eq3A_260 = vector.broadcast %broadcast_in_dim3A_259 : vector<128x1xf32> to vector<128x800xf32>
    %eq3A_261 = arith.cmpf oeq, %select_n3A_256, %eq3A_260 : vector<128x800xf32>
    %jit3A_262 = arith.constant 1073741824 : i32
    %broadcast_in_dim3A_263 = vector.broadcast %jit3A_262 : i32 to vector<128x800xi32>
    %select_n3A_264 = arith.select %eq3A_261, %iota3A, %broadcast_in_dim3A_263 : vector<128x800xi1>, vector<128x800xi32>
    %reduce_min3A_265 = arith.constant dense<2147483647> : vector<128xi32>
    %reduce_min3A_266 = vector.multi_reduction <minsi>, %select_n3A_264, %reduce_min3A_265 [1] : vector<128x800xi32> to vector<128xi32>
    %broadcast_in_dim3A_267 = vector.shape_cast %reduce_min3A_266 : vector<128xi32> to vector<128x1xi32>
    %add3A_268 = arith.addi %broadcast_in_dim3A_267, %mul3A_7 : vector<128x1xi32>
    %eq3A_269 = vector.broadcast %broadcast_in_dim3A_267 : vector<128x1xi32> to vector<128x800xi32>
    %eq3A_270 = arith.cmpi eq, %iota3A, %eq3A_269 : vector<128x800xi32>
    %jit3A_271 = arith.constant -3.000000e+38 : f32
    %broadcast_in_dim3A_272 = vector.broadcast %jit3A_271 : f32 to vector<128x800xf32>
    %select_n3A_273 = arith.select %eq3A_270, %broadcast_in_dim3A_272, %select_n3A_256 : vector<128x800xi1>, vector<128x800xf32>
    %reduce_max3A_274 = arith.constant dense<0xFF800000> : vector<128xf32>
    %reduce_max3A_275 = vector.multi_reduction <maximumf>, %select_n3A_273, %reduce_max3A_274 [1] : vector<128x800xf32> to vector<128xf32>
    %broadcast_in_dim3A_276 = vector.shape_cast %reduce_max3A_275 : vector<128xf32> to vector<128x1xf32>
    %eq3A_277 = vector.broadcast %broadcast_in_dim3A_276 : vector<128x1xf32> to vector<128x800xf32>
    %eq3A_278 = arith.cmpf oeq, %select_n3A_273, %eq3A_277 : vector<128x800xf32>
    %jit3A_279 = arith.constant 1073741824 : i32
    %broadcast_in_dim3A_280 = vector.broadcast %jit3A_279 : i32 to vector<128x800xi32>
    %select_n3A_281 = arith.select %eq3A_278, %iota3A, %broadcast_in_dim3A_280 : vector<128x800xi1>, vector<128x800xi32>
    %reduce_min3A_282 = arith.constant dense<2147483647> : vector<128xi32>
    %reduce_min3A_283 = vector.multi_reduction <minsi>, %select_n3A_281, %reduce_min3A_282 [1] : vector<128x800xi32> to vector<128xi32>
    %broadcast_in_dim3A_284 = vector.shape_cast %reduce_min3A_283 : vector<128xi32> to vector<128x1xi32>
    %add3A_285 = arith.addi %broadcast_in_dim3A_284, %mul3A_7 : vector<128x1xi32>
    %eq3A_286 = vector.broadcast %broadcast_in_dim3A_284 : vector<128x1xi32> to vector<128x800xi32>
    %eq3A_287 = arith.cmpi eq, %iota3A, %eq3A_286 : vector<128x800xi32>
    %jit3A_288 = arith.constant -3.000000e+38 : f32
    %broadcast_in_dim3A_289 = vector.broadcast %jit3A_288 : f32 to vector<128x800xf32>
    %select_n3A_290 = arith.select %eq3A_287, %broadcast_in_dim3A_289, %select_n3A_273 : vector<128x800xi1>, vector<128x800xf32>
    %reduce_max3A_291 = arith.constant dense<0xFF800000> : vector<128xf32>
    %reduce_max3A_292 = vector.multi_reduction <maximumf>, %select_n3A_290, %reduce_max3A_291 [1] : vector<128x800xf32> to vector<128xf32>
    %broadcast_in_dim3A_293 = vector.shape_cast %reduce_max3A_292 : vector<128xf32> to vector<128x1xf32>
    %eq3A_294 = vector.broadcast %broadcast_in_dim3A_293 : vector<128x1xf32> to vector<128x800xf32>
    %eq3A_295 = arith.cmpf oeq, %select_n3A_290, %eq3A_294 : vector<128x800xf32>
    %jit3A_296 = arith.constant 1073741824 : i32
    %broadcast_in_dim3A_297 = vector.broadcast %jit3A_296 : i32 to vector<128x800xi32>
    %select_n3A_298 = arith.select %eq3A_295, %iota3A, %broadcast_in_dim3A_297 : vector<128x800xi1>, vector<128x800xi32>
    %reduce_min3A_299 = arith.constant dense<2147483647> : vector<128xi32>
    %reduce_min3A_300 = vector.multi_reduction <minsi>, %select_n3A_298, %reduce_min3A_299 [1] : vector<128x800xi32> to vector<128xi32>
    %broadcast_in_dim3A_301 = vector.shape_cast %reduce_min3A_300 : vector<128xi32> to vector<128x1xi32>
    %add3A_302 = arith.addi %broadcast_in_dim3A_301, %mul3A_7 : vector<128x1xi32>
    %eq3A_303 = vector.broadcast %broadcast_in_dim3A_301 : vector<128x1xi32> to vector<128x800xi32>
    %eq3A_304 = arith.cmpi eq, %iota3A, %eq3A_303 : vector<128x800xi32>
    %jit3A_305 = arith.constant -3.000000e+38 : f32
    %broadcast_in_dim3A_306 = vector.broadcast %jit3A_305 : f32 to vector<128x800xf32>
    %select_n3A_307 = arith.select %eq3A_304, %broadcast_in_dim3A_306, %select_n3A_290 : vector<128x800xi1>, vector<128x800xf32>
    %reduce_max3A_308 = arith.constant dense<0xFF800000> : vector<128xf32>
    %reduce_max3A_309 = vector.multi_reduction <maximumf>, %select_n3A_307, %reduce_max3A_308 [1] : vector<128x800xf32> to vector<128xf32>
    %broadcast_in_dim3A_310 = vector.shape_cast %reduce_max3A_309 : vector<128xf32> to vector<128x1xf32>
    %eq3A_311 = vector.broadcast %broadcast_in_dim3A_310 : vector<128x1xf32> to vector<128x800xf32>
    %eq3A_312 = arith.cmpf oeq, %select_n3A_307, %eq3A_311 : vector<128x800xf32>
    %jit3A_313 = arith.constant 1073741824 : i32
    %broadcast_in_dim3A_314 = vector.broadcast %jit3A_313 : i32 to vector<128x800xi32>
    %select_n3A_315 = arith.select %eq3A_312, %iota3A, %broadcast_in_dim3A_314 : vector<128x800xi1>, vector<128x800xi32>
    %reduce_min3A_316 = arith.constant dense<2147483647> : vector<128xi32>
    %reduce_min3A_317 = vector.multi_reduction <minsi>, %select_n3A_315, %reduce_min3A_316 [1] : vector<128x800xi32> to vector<128xi32>
    %broadcast_in_dim3A_318 = vector.shape_cast %reduce_min3A_317 : vector<128xi32> to vector<128x1xi32>
    %add3A_319 = arith.addi %broadcast_in_dim3A_318, %mul3A_7 : vector<128x1xi32>
    %eq3A_320 = vector.broadcast %broadcast_in_dim3A_318 : vector<128x1xi32> to vector<128x800xi32>
    %eq3A_321 = arith.cmpi eq, %iota3A, %eq3A_320 : vector<128x800xi32>
    %jit3A_322 = arith.constant -3.000000e+38 : f32
    %broadcast_in_dim3A_323 = vector.broadcast %jit3A_322 : f32 to vector<128x800xf32>
    %select_n3A_324 = arith.select %eq3A_321, %broadcast_in_dim3A_323, %select_n3A_307 : vector<128x800xi1>, vector<128x800xf32>
    %reduce_max3A_325 = arith.constant dense<0xFF800000> : vector<128xf32>
    %reduce_max3A_326 = vector.multi_reduction <maximumf>, %select_n3A_324, %reduce_max3A_325 [1] : vector<128x800xf32> to vector<128xf32>
    %broadcast_in_dim3A_327 = vector.shape_cast %reduce_max3A_326 : vector<128xf32> to vector<128x1xf32>
    %eq3A_328 = vector.broadcast %broadcast_in_dim3A_327 : vector<128x1xf32> to vector<128x800xf32>
    %eq3A_329 = arith.cmpf oeq, %select_n3A_324, %eq3A_328 : vector<128x800xf32>
    %jit3A_330 = arith.constant 1073741824 : i32
    %broadcast_in_dim3A_331 = vector.broadcast %jit3A_330 : i32 to vector<128x800xi32>
    %select_n3A_332 = arith.select %eq3A_329, %iota3A, %broadcast_in_dim3A_331 : vector<128x800xi1>, vector<128x800xi32>
    %reduce_min3A_333 = arith.constant dense<2147483647> : vector<128xi32>
    %reduce_min3A_334 = vector.multi_reduction <minsi>, %select_n3A_332, %reduce_min3A_333 [1] : vector<128x800xi32> to vector<128xi32>
    %broadcast_in_dim3A_335 = vector.shape_cast %reduce_min3A_334 : vector<128xi32> to vector<128x1xi32>
    %add3A_336 = arith.addi %broadcast_in_dim3A_335, %mul3A_7 : vector<128x1xi32>
    %broadcast_in_dim3A_337 = arith.constant 0 : i32
    %broadcast_in_dim3A_338 = vector.broadcast %broadcast_in_dim3A_337 : i32 to vector<128x108xi32>
    %concatenate3A = tpu.concatenate %add3A_13, %add3A_30, %add3A_47, %add3A_64, %add3A_81, %add3A_98, %add3A_115, %add3A_132, %add3A_149, %add3A_166, %add3A_183, %add3A_200, %add3A_217, %add3A_234, %add3A_251, %add3A_268, %add3A_285, %add3A_302, %add3A_319, %add3A_336, %broadcast_in_dim3A_338 in 1 : vector<128x1xi32>, vector<128x1xi32>, vector<128x1xi32>, vector<128x1xi32>, vector<128x1xi32>, vector<128x1xi32>, vector<128x1xi32>, vector<128x1xi32>, vector<128x1xi32>, vector<128x1xi32>, vector<128x1xi32>, vector<128x1xi32>, vector<128x1xi32>, vector<128x1xi32>, vector<128x1xi32>, vector<128x1xi32>, vector<128x1xi32>, vector<128x1xi32>, vector<128x1xi32>, vector<128x1xi32>, vector<128x108xi32> -> vector<128x128xi32>
    %swap3A = arith.constant 0 : index
    %swap3A_339 = arith.constant 0 : index
    %swap3A_340 = vector.load %arg2[%swap3A, %swap3A_339] : memref<128x128xi32, #tpu.memory_space<vmem>>, vector<128x128xi32>
    tpu.vector_store %arg2[%swap3A, %swap3A_339], %concatenate3A {strides = array<i32>} : memref<128x128xi32, #tpu.memory_space<vmem>>, vector<128x128xi32>,
    return
  }
  func.func @transform_0(%arg0: i32) -> (i32, i32) {
    %c0_i32 = arith.constant 0 : i32
    %c0_i32_0 = arith.constant 0 : i32
    return %arg0, %c0_i32 : i32, i32
  }
  func.func @transform_1(%arg0: i32) -> (i32, i32) {
    %c0_i32 = arith.constant 0 : i32
    %c0_i32_0 = arith.constant 0 : i32
    return %arg0, %c0_i32 : i32, i32
  }
}

module attributes {stable_mosaic.version = 14 : i64} {
  func.func @_l2_body(%arg0: i32, %arg1: memref<128x20x128xf32, #tpu.memory_space<vmem>>, %arg2: memref<128x20xi32, #tpu.memory_space<vmem>>, %arg3: memref<128x20xf32, #tpu.memory_space<vmem>>, %arg4: memref<128x20xi32, #tpu.memory_space<vmem>>) attributes {dimension_semantics = [#tpu.dimension_semantics<arbitrary>], iteration_bounds = array<i64: 8>, scalar_prefetch = 0 : i64, scratch_operands = 0 : i64, tpu.core_type = #tpu.core_type<tc>, window_params = [{transform_indices = @transform_0, window_bounds = array<i64: 128, 20, 128>}, {transform_indices = @transform_1, window_bounds = array<i64: 128, 20>}, {transform_indices = @transform_2, window_bounds = array<i64: 128, 20>}, {transform_indices = @transform_3, window_bounds = array<i64: 128, 20>}]} {
    %get3A = arith.constant 0 : index
    %get3A_0 = arith.constant 0 : index
    %get3A_1 = arith.constant 0 : index
    %get3A_2 = vector.load %arg1[%get3A, %get3A_0, %get3A_1] : memref<128x20x128xf32, #tpu.memory_space<vmem>>, vector<128x20x128xf32>
    %mul3A = arith.constant 128 : i32
    %mul3A_3 = arith.muli %arg0, %mul3A : i32
    %iota3A = tpu.iota {dimensions = array<i32: 0>} : vector<128x1xi32>
    %add3A = vector.broadcast %mul3A_3 : i32 to vector<128x1xi32>
    %add3A_4 = arith.addi %add3A, %iota3A : vector<128x1xi32>
    %mul3A_5 = arith.constant 800 : i32
    %mul3A_6 = vector.broadcast %mul3A_5 : i32 to vector<128x1xi32>
    %mul3A_7 = arith.muli %add3A_4, %mul3A_6 : vector<128x1xi32>
    %get3A_8 = arith.constant 0 : index
    %get3A_9 = arith.constant 0 : index
    %get3A_10 = vector.load %arg2[%get3A_8, %get3A_9] : memref<128x20xi32, #tpu.memory_space<vmem>>, vector<128x20xi32>
    %sub3A = vector.broadcast %mul3A_7 : vector<128x1xi32> to vector<128x20xi32>
    %sub3A_11 = arith.subi %get3A_10, %sub3A : vector<128x20xi32>
    %broadcast_in_dim3A = vector.shape_cast %sub3A_11 : vector<128x20xi32> to vector<128x20x1xi32>
    %mul3A_12 = arith.constant 128 : i32
    %mul3A_13 = vector.broadcast %mul3A_12 : i32 to vector<128x20x1xi32>
    %mul3A_14 = arith.muli %broadcast_in_dim3A, %mul3A_13 : vector<128x20x1xi32>
    %iota3A_15 = tpu.iota {dimensions = array<i32: 2>} : vector<128x20x128xi32>
    %add3A_16 = vector.broadcast %mul3A_14 : vector<128x20x1xi32> to vector<128x20x128xi32>
    %add3A_17 = arith.addi %add3A_16, %iota3A_15 : vector<128x20x128xi32>
    %reduce_max3A = arith.constant dense<0xFF800000> : vector<128x20xf32>
    %reduce_max3A_18 = vector.multi_reduction <maximumf>, %get3A_2, %reduce_max3A [2] : vector<128x20x128xf32> to vector<128x20xf32>
    %reduce_max3A_19 = arith.constant dense<0xFF800000> : vector<128xf32>
    %reduce_max3A_20 = vector.multi_reduction <maximumf>, %reduce_max3A_18, %reduce_max3A_19 [1] : vector<128x20xf32> to vector<128xf32>
    %broadcast_in_dim3A_21 = vector.shape_cast %reduce_max3A_20 : vector<128xf32> to vector<128x1x1xf32>
    %eq3A = vector.broadcast %broadcast_in_dim3A_21 : vector<128x1x1xf32> to vector<128x20x128xf32>
    %eq3A_22 = arith.cmpf oeq, %get3A_2, %eq3A : vector<128x20x128xf32>
    %jit3A = arith.constant 1073741824 : i32
    %broadcast_in_dim3A_23 = vector.broadcast %jit3A : i32 to vector<128x20x128xi32>
    %select_n3A = arith.select %eq3A_22, %add3A_17, %broadcast_in_dim3A_23 : vector<128x20x128xi1>, vector<128x20x128xi32>
    %reduce_min3A = arith.constant dense<2147483647> : vector<128x20xi32>
    %reduce_min3A_24 = vector.multi_reduction <minsi>, %select_n3A, %reduce_min3A [2] : vector<128x20x128xi32> to vector<128x20xi32>
    %reduce_min3A_25 = arith.constant dense<2147483647> : vector<128xi32>
    %reduce_min3A_26 = vector.multi_reduction <minsi>, %reduce_min3A_24, %reduce_min3A_25 [1] : vector<128x20xi32> to vector<128xi32>
    %broadcast_in_dim3A_27 = vector.shape_cast %reduce_max3A_20 : vector<128xf32> to vector<128x1xf32>
    %broadcast_in_dim3A_28 = vector.shape_cast %reduce_min3A_26 : vector<128xi32> to vector<128x1xi32>
    %broadcast_in_dim3A_29 = vector.shape_cast %reduce_min3A_26 : vector<128xi32> to vector<128x1x1xi32>
    %eq3A_30 = vector.broadcast %broadcast_in_dim3A_29 : vector<128x1x1xi32> to vector<128x20x128xi32>
    %eq3A_31 = arith.cmpi eq, %add3A_17, %eq3A_30 : vector<128x20x128xi32>
    %and3A = arith.andi %eq3A_22, %eq3A_31 : vector<128x20x128xi1>
    %jit3A_32 = arith.constant -3.000000e+38 : f32
    %broadcast_in_dim3A_33 = vector.broadcast %jit3A_32 : f32 to vector<128x20x128xf32>
    %select_n3A_34 = arith.select %and3A, %broadcast_in_dim3A_33, %get3A_2 : vector<128x20x128xi1>, vector<128x20x128xf32>
    %reduce_max3A_35 = arith.constant dense<0xFF800000> : vector<128x20xf32>
    %reduce_max3A_36 = vector.multi_reduction <maximumf>, %select_n3A_34, %reduce_max3A_35 [2] : vector<128x20x128xf32> to vector<128x20xf32>
    %reduce_max3A_37 = arith.constant dense<0xFF800000> : vector<128xf32>
    %reduce_max3A_38 = vector.multi_reduction <maximumf>, %reduce_max3A_36, %reduce_max3A_37 [1] : vector<128x20xf32> to vector<128xf32>
    %broadcast_in_dim3A_39 = vector.shape_cast %reduce_max3A_38 : vector<128xf32> to vector<128x1x1xf32>
    %eq3A_40 = vector.broadcast %broadcast_in_dim3A_39 : vector<128x1x1xf32> to vector<128x20x128xf32>
    %eq3A_41 = arith.cmpf oeq, %select_n3A_34, %eq3A_40 : vector<128x20x128xf32>
    %jit3A_42 = arith.constant 1073741824 : i32
    %broadcast_in_dim3A_43 = vector.broadcast %jit3A_42 : i32 to vector<128x20x128xi32>
    %select_n3A_44 = arith.select %eq3A_41, %add3A_17, %broadcast_in_dim3A_43 : vector<128x20x128xi1>, vector<128x20x128xi32>
    %reduce_min3A_45 = arith.constant dense<2147483647> : vector<128x20xi32>
    %reduce_min3A_46 = vector.multi_reduction <minsi>, %select_n3A_44, %reduce_min3A_45 [2] : vector<128x20x128xi32> to vector<128x20xi32>
    %reduce_min3A_47 = arith.constant dense<2147483647> : vector<128xi32>
    %reduce_min3A_48 = vector.multi_reduction <minsi>, %reduce_min3A_46, %reduce_min3A_47 [1] : vector<128x20xi32> to vector<128xi32>
    %broadcast_in_dim3A_49 = vector.shape_cast %reduce_max3A_38 : vector<128xf32> to vector<128x1xf32>
    %broadcast_in_dim3A_50 = vector.shape_cast %reduce_min3A_48 : vector<128xi32> to vector<128x1xi32>
    %broadcast_in_dim3A_51 = vector.shape_cast %reduce_min3A_48 : vector<128xi32> to vector<128x1x1xi32>
    %eq3A_52 = vector.broadcast %broadcast_in_dim3A_51 : vector<128x1x1xi32> to vector<128x20x128xi32>
    %eq3A_53 = arith.cmpi eq, %add3A_17, %eq3A_52 : vector<128x20x128xi32>
    %and3A_54 = arith.andi %eq3A_41, %eq3A_53 : vector<128x20x128xi1>
    %jit3A_55 = arith.constant -3.000000e+38 : f32
    %broadcast_in_dim3A_56 = vector.broadcast %jit3A_55 : f32 to vector<128x20x128xf32>
    %select_n3A_57 = arith.select %and3A_54, %broadcast_in_dim3A_56, %select_n3A_34 : vector<128x20x128xi1>, vector<128x20x128xf32>
    %reduce_max3A_58 = arith.constant dense<0xFF800000> : vector<128x20xf32>
    %reduce_max3A_59 = vector.multi_reduction <maximumf>, %select_n3A_57, %reduce_max3A_58 [2] : vector<128x20x128xf32> to vector<128x20xf32>
    %reduce_max3A_60 = arith.constant dense<0xFF800000> : vector<128xf32>
    %reduce_max3A_61 = vector.multi_reduction <maximumf>, %reduce_max3A_59, %reduce_max3A_60 [1] : vector<128x20xf32> to vector<128xf32>
    %broadcast_in_dim3A_62 = vector.shape_cast %reduce_max3A_61 : vector<128xf32> to vector<128x1x1xf32>
    %eq3A_63 = vector.broadcast %broadcast_in_dim3A_62 : vector<128x1x1xf32> to vector<128x20x128xf32>
    %eq3A_64 = arith.cmpf oeq, %select_n3A_57, %eq3A_63 : vector<128x20x128xf32>
    %jit3A_65 = arith.constant 1073741824 : i32
    %broadcast_in_dim3A_66 = vector.broadcast %jit3A_65 : i32 to vector<128x20x128xi32>
    %select_n3A_67 = arith.select %eq3A_64, %add3A_17, %broadcast_in_dim3A_66 : vector<128x20x128xi1>, vector<128x20x128xi32>
    %reduce_min3A_68 = arith.constant dense<2147483647> : vector<128x20xi32>
    %reduce_min3A_69 = vector.multi_reduction <minsi>, %select_n3A_67, %reduce_min3A_68 [2] : vector<128x20x128xi32> to vector<128x20xi32>
    %reduce_min3A_70 = arith.constant dense<2147483647> : vector<128xi32>
    %reduce_min3A_71 = vector.multi_reduction <minsi>, %reduce_min3A_69, %reduce_min3A_70 [1] : vector<128x20xi32> to vector<128xi32>
    %broadcast_in_dim3A_72 = vector.shape_cast %reduce_max3A_61 : vector<128xf32> to vector<128x1xf32>
    %broadcast_in_dim3A_73 = vector.shape_cast %reduce_min3A_71 : vector<128xi32> to vector<128x1xi32>
    %broadcast_in_dim3A_74 = vector.shape_cast %reduce_min3A_71 : vector<128xi32> to vector<128x1x1xi32>
    %eq3A_75 = vector.broadcast %broadcast_in_dim3A_74 : vector<128x1x1xi32> to vector<128x20x128xi32>
    %eq3A_76 = arith.cmpi eq, %add3A_17, %eq3A_75 : vector<128x20x128xi32>
    %and3A_77 = arith.andi %eq3A_64, %eq3A_76 : vector<128x20x128xi1>
    %jit3A_78 = arith.constant -3.000000e+38 : f32
    %broadcast_in_dim3A_79 = vector.broadcast %jit3A_78 : f32 to vector<128x20x128xf32>
    %select_n3A_80 = arith.select %and3A_77, %broadcast_in_dim3A_79, %select_n3A_57 : vector<128x20x128xi1>, vector<128x20x128xf32>
    %reduce_max3A_81 = arith.constant dense<0xFF800000> : vector<128x20xf32>
    %reduce_max3A_82 = vector.multi_reduction <maximumf>, %select_n3A_80, %reduce_max3A_81 [2] : vector<128x20x128xf32> to vector<128x20xf32>
    %reduce_max3A_83 = arith.constant dense<0xFF800000> : vector<128xf32>
    %reduce_max3A_84 = vector.multi_reduction <maximumf>, %reduce_max3A_82, %reduce_max3A_83 [1] : vector<128x20xf32> to vector<128xf32>
    %broadcast_in_dim3A_85 = vector.shape_cast %reduce_max3A_84 : vector<128xf32> to vector<128x1x1xf32>
    %eq3A_86 = vector.broadcast %broadcast_in_dim3A_85 : vector<128x1x1xf32> to vector<128x20x128xf32>
    %eq3A_87 = arith.cmpf oeq, %select_n3A_80, %eq3A_86 : vector<128x20x128xf32>
    %jit3A_88 = arith.constant 1073741824 : i32
    %broadcast_in_dim3A_89 = vector.broadcast %jit3A_88 : i32 to vector<128x20x128xi32>
    %select_n3A_90 = arith.select %eq3A_87, %add3A_17, %broadcast_in_dim3A_89 : vector<128x20x128xi1>, vector<128x20x128xi32>
    %reduce_min3A_91 = arith.constant dense<2147483647> : vector<128x20xi32>
    %reduce_min3A_92 = vector.multi_reduction <minsi>, %select_n3A_90, %reduce_min3A_91 [2] : vector<128x20x128xi32> to vector<128x20xi32>
    %reduce_min3A_93 = arith.constant dense<2147483647> : vector<128xi32>
    %reduce_min3A_94 = vector.multi_reduction <minsi>, %reduce_min3A_92, %reduce_min3A_93 [1] : vector<128x20xi32> to vector<128xi32>
    %broadcast_in_dim3A_95 = vector.shape_cast %reduce_max3A_84 : vector<128xf32> to vector<128x1xf32>
    %broadcast_in_dim3A_96 = vector.shape_cast %reduce_min3A_94 : vector<128xi32> to vector<128x1xi32>
    %broadcast_in_dim3A_97 = vector.shape_cast %reduce_min3A_94 : vector<128xi32> to vector<128x1x1xi32>
    %eq3A_98 = vector.broadcast %broadcast_in_dim3A_97 : vector<128x1x1xi32> to vector<128x20x128xi32>
    %eq3A_99 = arith.cmpi eq, %add3A_17, %eq3A_98 : vector<128x20x128xi32>
    %and3A_100 = arith.andi %eq3A_87, %eq3A_99 : vector<128x20x128xi1>
    %jit3A_101 = arith.constant -3.000000e+38 : f32
    %broadcast_in_dim3A_102 = vector.broadcast %jit3A_101 : f32 to vector<128x20x128xf32>
    %select_n3A_103 = arith.select %and3A_100, %broadcast_in_dim3A_102, %select_n3A_80 : vector<128x20x128xi1>, vector<128x20x128xf32>
    %reduce_max3A_104 = arith.constant dense<0xFF800000> : vector<128x20xf32>
    %reduce_max3A_105 = vector.multi_reduction <maximumf>, %select_n3A_103, %reduce_max3A_104 [2] : vector<128x20x128xf32> to vector<128x20xf32>
    %reduce_max3A_106 = arith.constant dense<0xFF800000> : vector<128xf32>
    %reduce_max3A_107 = vector.multi_reduction <maximumf>, %reduce_max3A_105, %reduce_max3A_106 [1] : vector<128x20xf32> to vector<128xf32>
    %broadcast_in_dim3A_108 = vector.shape_cast %reduce_max3A_107 : vector<128xf32> to vector<128x1x1xf32>
    %eq3A_109 = vector.broadcast %broadcast_in_dim3A_108 : vector<128x1x1xf32> to vector<128x20x128xf32>
    %eq3A_110 = arith.cmpf oeq, %select_n3A_103, %eq3A_109 : vector<128x20x128xf32>
    %jit3A_111 = arith.constant 1073741824 : i32
    %broadcast_in_dim3A_112 = vector.broadcast %jit3A_111 : i32 to vector<128x20x128xi32>
    %select_n3A_113 = arith.select %eq3A_110, %add3A_17, %broadcast_in_dim3A_112 : vector<128x20x128xi1>, vector<128x20x128xi32>
    %reduce_min3A_114 = arith.constant dense<2147483647> : vector<128x20xi32>
    %reduce_min3A_115 = vector.multi_reduction <minsi>, %select_n3A_113, %reduce_min3A_114 [2] : vector<128x20x128xi32> to vector<128x20xi32>
    %reduce_min3A_116 = arith.constant dense<2147483647> : vector<128xi32>
    %reduce_min3A_117 = vector.multi_reduction <minsi>, %reduce_min3A_115, %reduce_min3A_116 [1] : vector<128x20xi32> to vector<128xi32>
    %broadcast_in_dim3A_118 = vector.shape_cast %reduce_max3A_107 : vector<128xf32> to vector<128x1xf32>
    %broadcast_in_dim3A_119 = vector.shape_cast %reduce_min3A_117 : vector<128xi32> to vector<128x1xi32>
    %broadcast_in_dim3A_120 = vector.shape_cast %reduce_min3A_117 : vector<128xi32> to vector<128x1x1xi32>
    %eq3A_121 = vector.broadcast %broadcast_in_dim3A_120 : vector<128x1x1xi32> to vector<128x20x128xi32>
    %eq3A_122 = arith.cmpi eq, %add3A_17, %eq3A_121 : vector<128x20x128xi32>
    %and3A_123 = arith.andi %eq3A_110, %eq3A_122 : vector<128x20x128xi1>
    %jit3A_124 = arith.constant -3.000000e+38 : f32
    %broadcast_in_dim3A_125 = vector.broadcast %jit3A_124 : f32 to vector<128x20x128xf32>
    %select_n3A_126 = arith.select %and3A_123, %broadcast_in_dim3A_125, %select_n3A_103 : vector<128x20x128xi1>, vector<128x20x128xf32>
    %reduce_max3A_127 = arith.constant dense<0xFF800000> : vector<128x20xf32>
    %reduce_max3A_128 = vector.multi_reduction <maximumf>, %select_n3A_126, %reduce_max3A_127 [2] : vector<128x20x128xf32> to vector<128x20xf32>
    %reduce_max3A_129 = arith.constant dense<0xFF800000> : vector<128xf32>
    %reduce_max3A_130 = vector.multi_reduction <maximumf>, %reduce_max3A_128, %reduce_max3A_129 [1] : vector<128x20xf32> to vector<128xf32>
    %broadcast_in_dim3A_131 = vector.shape_cast %reduce_max3A_130 : vector<128xf32> to vector<128x1x1xf32>
    %eq3A_132 = vector.broadcast %broadcast_in_dim3A_131 : vector<128x1x1xf32> to vector<128x20x128xf32>
    %eq3A_133 = arith.cmpf oeq, %select_n3A_126, %eq3A_132 : vector<128x20x128xf32>
    %jit3A_134 = arith.constant 1073741824 : i32
    %broadcast_in_dim3A_135 = vector.broadcast %jit3A_134 : i32 to vector<128x20x128xi32>
    %select_n3A_136 = arith.select %eq3A_133, %add3A_17, %broadcast_in_dim3A_135 : vector<128x20x128xi1>, vector<128x20x128xi32>
    %reduce_min3A_137 = arith.constant dense<2147483647> : vector<128x20xi32>
    %reduce_min3A_138 = vector.multi_reduction <minsi>, %select_n3A_136, %reduce_min3A_137 [2] : vector<128x20x128xi32> to vector<128x20xi32>
    %reduce_min3A_139 = arith.constant dense<2147483647> : vector<128xi32>
    %reduce_min3A_140 = vector.multi_reduction <minsi>, %reduce_min3A_138, %reduce_min3A_139 [1] : vector<128x20xi32> to vector<128xi32>
    %broadcast_in_dim3A_141 = vector.shape_cast %reduce_max3A_130 : vector<128xf32> to vector<128x1xf32>
    %broadcast_in_dim3A_142 = vector.shape_cast %reduce_min3A_140 : vector<128xi32> to vector<128x1xi32>
    %broadcast_in_dim3A_143 = vector.shape_cast %reduce_min3A_140 : vector<128xi32> to vector<128x1x1xi32>
    %eq3A_144 = vector.broadcast %broadcast_in_dim3A_143 : vector<128x1x1xi32> to vector<128x20x128xi32>
    %eq3A_145 = arith.cmpi eq, %add3A_17, %eq3A_144 : vector<128x20x128xi32>
    %and3A_146 = arith.andi %eq3A_133, %eq3A_145 : vector<128x20x128xi1>
    %jit3A_147 = arith.constant -3.000000e+38 : f32
    %broadcast_in_dim3A_148 = vector.broadcast %jit3A_147 : f32 to vector<128x20x128xf32>
    %select_n3A_149 = arith.select %and3A_146, %broadcast_in_dim3A_148, %select_n3A_126 : vector<128x20x128xi1>, vector<128x20x128xf32>
    %reduce_max3A_150 = arith.constant dense<0xFF800000> : vector<128x20xf32>
    %reduce_max3A_151 = vector.multi_reduction <maximumf>, %select_n3A_149, %reduce_max3A_150 [2] : vector<128x20x128xf32> to vector<128x20xf32>
    %reduce_max3A_152 = arith.constant dense<0xFF800000> : vector<128xf32>
    %reduce_max3A_153 = vector.multi_reduction <maximumf>, %reduce_max3A_151, %reduce_max3A_152 [1] : vector<128x20xf32> to vector<128xf32>
    %broadcast_in_dim3A_154 = vector.shape_cast %reduce_max3A_153 : vector<128xf32> to vector<128x1x1xf32>
    %eq3A_155 = vector.broadcast %broadcast_in_dim3A_154 : vector<128x1x1xf32> to vector<128x20x128xf32>
    %eq3A_156 = arith.cmpf oeq, %select_n3A_149, %eq3A_155 : vector<128x20x128xf32>
    %jit3A_157 = arith.constant 1073741824 : i32
    %broadcast_in_dim3A_158 = vector.broadcast %jit3A_157 : i32 to vector<128x20x128xi32>
    %select_n3A_159 = arith.select %eq3A_156, %add3A_17, %broadcast_in_dim3A_158 : vector<128x20x128xi1>, vector<128x20x128xi32>
    %reduce_min3A_160 = arith.constant dense<2147483647> : vector<128x20xi32>
    %reduce_min3A_161 = vector.multi_reduction <minsi>, %select_n3A_159, %reduce_min3A_160 [2] : vector<128x20x128xi32> to vector<128x20xi32>
    %reduce_min3A_162 = arith.constant dense<2147483647> : vector<128xi32>
    %reduce_min3A_163 = vector.multi_reduction <minsi>, %reduce_min3A_161, %reduce_min3A_162 [1] : vector<128x20xi32> to vector<128xi32>
    %broadcast_in_dim3A_164 = vector.shape_cast %reduce_max3A_153 : vector<128xf32> to vector<128x1xf32>
    %broadcast_in_dim3A_165 = vector.shape_cast %reduce_min3A_163 : vector<128xi32> to vector<128x1xi32>
    %broadcast_in_dim3A_166 = vector.shape_cast %reduce_min3A_163 : vector<128xi32> to vector<128x1x1xi32>
    %eq3A_167 = vector.broadcast %broadcast_in_dim3A_166 : vector<128x1x1xi32> to vector<128x20x128xi32>
    %eq3A_168 = arith.cmpi eq, %add3A_17, %eq3A_167 : vector<128x20x128xi32>
    %and3A_169 = arith.andi %eq3A_156, %eq3A_168 : vector<128x20x128xi1>
    %jit3A_170 = arith.constant -3.000000e+38 : f32
    %broadcast_in_dim3A_171 = vector.broadcast %jit3A_170 : f32 to vector<128x20x128xf32>
    %select_n3A_172 = arith.select %and3A_169, %broadcast_in_dim3A_171, %select_n3A_149 : vector<128x20x128xi1>, vector<128x20x128xf32>
    %reduce_max3A_173 = arith.constant dense<0xFF800000> : vector<128x20xf32>
    %reduce_max3A_174 = vector.multi_reduction <maximumf>, %select_n3A_172, %reduce_max3A_173 [2] : vector<128x20x128xf32> to vector<128x20xf32>
    %reduce_max3A_175 = arith.constant dense<0xFF800000> : vector<128xf32>
    %reduce_max3A_176 = vector.multi_reduction <maximumf>, %reduce_max3A_174, %reduce_max3A_175 [1] : vector<128x20xf32> to vector<128xf32>
    %broadcast_in_dim3A_177 = vector.shape_cast %reduce_max3A_176 : vector<128xf32> to vector<128x1x1xf32>
    %eq3A_178 = vector.broadcast %broadcast_in_dim3A_177 : vector<128x1x1xf32> to vector<128x20x128xf32>
    %eq3A_179 = arith.cmpf oeq, %select_n3A_172, %eq3A_178 : vector<128x20x128xf32>
    %jit3A_180 = arith.constant 1073741824 : i32
    %broadcast_in_dim3A_181 = vector.broadcast %jit3A_180 : i32 to vector<128x20x128xi32>
    %select_n3A_182 = arith.select %eq3A_179, %add3A_17, %broadcast_in_dim3A_181 : vector<128x20x128xi1>, vector<128x20x128xi32>
    %reduce_min3A_183 = arith.constant dense<2147483647> : vector<128x20xi32>
    %reduce_min3A_184 = vector.multi_reduction <minsi>, %select_n3A_182, %reduce_min3A_183 [2] : vector<128x20x128xi32> to vector<128x20xi32>
    %reduce_min3A_185 = arith.constant dense<2147483647> : vector<128xi32>
    %reduce_min3A_186 = vector.multi_reduction <minsi>, %reduce_min3A_184, %reduce_min3A_185 [1] : vector<128x20xi32> to vector<128xi32>
    %broadcast_in_dim3A_187 = vector.shape_cast %reduce_max3A_176 : vector<128xf32> to vector<128x1xf32>
    %broadcast_in_dim3A_188 = vector.shape_cast %reduce_min3A_186 : vector<128xi32> to vector<128x1xi32>
    %broadcast_in_dim3A_189 = vector.shape_cast %reduce_min3A_186 : vector<128xi32> to vector<128x1x1xi32>
    %eq3A_190 = vector.broadcast %broadcast_in_dim3A_189 : vector<128x1x1xi32> to vector<128x20x128xi32>
    %eq3A_191 = arith.cmpi eq, %add3A_17, %eq3A_190 : vector<128x20x128xi32>
    %and3A_192 = arith.andi %eq3A_179, %eq3A_191 : vector<128x20x128xi1>
    %jit3A_193 = arith.constant -3.000000e+38 : f32
    %broadcast_in_dim3A_194 = vector.broadcast %jit3A_193 : f32 to vector<128x20x128xf32>
    %select_n3A_195 = arith.select %and3A_192, %broadcast_in_dim3A_194, %select_n3A_172 : vector<128x20x128xi1>, vector<128x20x128xf32>
    %reduce_max3A_196 = arith.constant dense<0xFF800000> : vector<128x20xf32>
    %reduce_max3A_197 = vector.multi_reduction <maximumf>, %select_n3A_195, %reduce_max3A_196 [2] : vector<128x20x128xf32> to vector<128x20xf32>
    %reduce_max3A_198 = arith.constant dense<0xFF800000> : vector<128xf32>
    %reduce_max3A_199 = vector.multi_reduction <maximumf>, %reduce_max3A_197, %reduce_max3A_198 [1] : vector<128x20xf32> to vector<128xf32>
    %broadcast_in_dim3A_200 = vector.shape_cast %reduce_max3A_199 : vector<128xf32> to vector<128x1x1xf32>
    %eq3A_201 = vector.broadcast %broadcast_in_dim3A_200 : vector<128x1x1xf32> to vector<128x20x128xf32>
    %eq3A_202 = arith.cmpf oeq, %select_n3A_195, %eq3A_201 : vector<128x20x128xf32>
    %jit3A_203 = arith.constant 1073741824 : i32
    %broadcast_in_dim3A_204 = vector.broadcast %jit3A_203 : i32 to vector<128x20x128xi32>
    %select_n3A_205 = arith.select %eq3A_202, %add3A_17, %broadcast_in_dim3A_204 : vector<128x20x128xi1>, vector<128x20x128xi32>
    %reduce_min3A_206 = arith.constant dense<2147483647> : vector<128x20xi32>
    %reduce_min3A_207 = vector.multi_reduction <minsi>, %select_n3A_205, %reduce_min3A_206 [2] : vector<128x20x128xi32> to vector<128x20xi32>
    %reduce_min3A_208 = arith.constant dense<2147483647> : vector<128xi32>
    %reduce_min3A_209 = vector.multi_reduction <minsi>, %reduce_min3A_207, %reduce_min3A_208 [1] : vector<128x20xi32> to vector<128xi32>
    %broadcast_in_dim3A_210 = vector.shape_cast %reduce_max3A_199 : vector<128xf32> to vector<128x1xf32>
    %broadcast_in_dim3A_211 = vector.shape_cast %reduce_min3A_209 : vector<128xi32> to vector<128x1xi32>
    %broadcast_in_dim3A_212 = vector.shape_cast %reduce_min3A_209 : vector<128xi32> to vector<128x1x1xi32>
    %eq3A_213 = vector.broadcast %broadcast_in_dim3A_212 : vector<128x1x1xi32> to vector<128x20x128xi32>
    %eq3A_214 = arith.cmpi eq, %add3A_17, %eq3A_213 : vector<128x20x128xi32>
    %and3A_215 = arith.andi %eq3A_202, %eq3A_214 : vector<128x20x128xi1>
    %jit3A_216 = arith.constant -3.000000e+38 : f32
    %broadcast_in_dim3A_217 = vector.broadcast %jit3A_216 : f32 to vector<128x20x128xf32>
    %select_n3A_218 = arith.select %and3A_215, %broadcast_in_dim3A_217, %select_n3A_195 : vector<128x20x128xi1>, vector<128x20x128xf32>
    %reduce_max3A_219 = arith.constant dense<0xFF800000> : vector<128x20xf32>
    %reduce_max3A_220 = vector.multi_reduction <maximumf>, %select_n3A_218, %reduce_max3A_219 [2] : vector<128x20x128xf32> to vector<128x20xf32>
    %reduce_max3A_221 = arith.constant dense<0xFF800000> : vector<128xf32>
    %reduce_max3A_222 = vector.multi_reduction <maximumf>, %reduce_max3A_220, %reduce_max3A_221 [1] : vector<128x20xf32> to vector<128xf32>
    %broadcast_in_dim3A_223 = vector.shape_cast %reduce_max3A_222 : vector<128xf32> to vector<128x1x1xf32>
    %eq3A_224 = vector.broadcast %broadcast_in_dim3A_223 : vector<128x1x1xf32> to vector<128x20x128xf32>
    %eq3A_225 = arith.cmpf oeq, %select_n3A_218, %eq3A_224 : vector<128x20x128xf32>
    %jit3A_226 = arith.constant 1073741824 : i32
    %broadcast_in_dim3A_227 = vector.broadcast %jit3A_226 : i32 to vector<128x20x128xi32>
    %select_n3A_228 = arith.select %eq3A_225, %add3A_17, %broadcast_in_dim3A_227 : vector<128x20x128xi1>, vector<128x20x128xi32>
    %reduce_min3A_229 = arith.constant dense<2147483647> : vector<128x20xi32>
    %reduce_min3A_230 = vector.multi_reduction <minsi>, %select_n3A_228, %reduce_min3A_229 [2] : vector<128x20x128xi32> to vector<128x20xi32>
    %reduce_min3A_231 = arith.constant dense<2147483647> : vector<128xi32>
    %reduce_min3A_232 = vector.multi_reduction <minsi>, %reduce_min3A_230, %reduce_min3A_231 [1] : vector<128x20xi32> to vector<128xi32>
    %broadcast_in_dim3A_233 = vector.shape_cast %reduce_max3A_222 : vector<128xf32> to vector<128x1xf32>
    %broadcast_in_dim3A_234 = vector.shape_cast %reduce_min3A_232 : vector<128xi32> to vector<128x1xi32>
    %broadcast_in_dim3A_235 = vector.shape_cast %reduce_min3A_232 : vector<128xi32> to vector<128x1x1xi32>
    %eq3A_236 = vector.broadcast %broadcast_in_dim3A_235 : vector<128x1x1xi32> to vector<128x20x128xi32>
    %eq3A_237 = arith.cmpi eq, %add3A_17, %eq3A_236 : vector<128x20x128xi32>
    %and3A_238 = arith.andi %eq3A_225, %eq3A_237 : vector<128x20x128xi1>
    %jit3A_239 = arith.constant -3.000000e+38 : f32
    %broadcast_in_dim3A_240 = vector.broadcast %jit3A_239 : f32 to vector<128x20x128xf32>
    %select_n3A_241 = arith.select %and3A_238, %broadcast_in_dim3A_240, %select_n3A_218 : vector<128x20x128xi1>, vector<128x20x128xf32>
    %reduce_max3A_242 = arith.constant dense<0xFF800000> : vector<128x20xf32>
    %reduce_max3A_243 = vector.multi_reduction <maximumf>, %select_n3A_241, %reduce_max3A_242 [2] : vector<128x20x128xf32> to vector<128x20xf32>
    %reduce_max3A_244 = arith.constant dense<0xFF800000> : vector<128xf32>
    %reduce_max3A_245 = vector.multi_reduction <maximumf>, %reduce_max3A_243, %reduce_max3A_244 [1] : vector<128x20xf32> to vector<128xf32>
    %broadcast_in_dim3A_246 = vector.shape_cast %reduce_max3A_245 : vector<128xf32> to vector<128x1x1xf32>
    %eq3A_247 = vector.broadcast %broadcast_in_dim3A_246 : vector<128x1x1xf32> to vector<128x20x128xf32>
    %eq3A_248 = arith.cmpf oeq, %select_n3A_241, %eq3A_247 : vector<128x20x128xf32>
    %jit3A_249 = arith.constant 1073741824 : i32
    %broadcast_in_dim3A_250 = vector.broadcast %jit3A_249 : i32 to vector<128x20x128xi32>
    %select_n3A_251 = arith.select %eq3A_248, %add3A_17, %broadcast_in_dim3A_250 : vector<128x20x128xi1>, vector<128x20x128xi32>
    %reduce_min3A_252 = arith.constant dense<2147483647> : vector<128x20xi32>
    %reduce_min3A_253 = vector.multi_reduction <minsi>, %select_n3A_251, %reduce_min3A_252 [2] : vector<128x20x128xi32> to vector<128x20xi32>
    %reduce_min3A_254 = arith.constant dense<2147483647> : vector<128xi32>
    %reduce_min3A_255 = vector.multi_reduction <minsi>, %reduce_min3A_253, %reduce_min3A_254 [1] : vector<128x20xi32> to vector<128xi32>
    %broadcast_in_dim3A_256 = vector.shape_cast %reduce_max3A_245 : vector<128xf32> to vector<128x1xf32>
    %broadcast_in_dim3A_257 = vector.shape_cast %reduce_min3A_255 : vector<128xi32> to vector<128x1xi32>
    %broadcast_in_dim3A_258 = vector.shape_cast %reduce_min3A_255 : vector<128xi32> to vector<128x1x1xi32>
    %eq3A_259 = vector.broadcast %broadcast_in_dim3A_258 : vector<128x1x1xi32> to vector<128x20x128xi32>
    %eq3A_260 = arith.cmpi eq, %add3A_17, %eq3A_259 : vector<128x20x128xi32>
    %and3A_261 = arith.andi %eq3A_248, %eq3A_260 : vector<128x20x128xi1>
    %jit3A_262 = arith.constant -3.000000e+38 : f32
    %broadcast_in_dim3A_263 = vector.broadcast %jit3A_262 : f32 to vector<128x20x128xf32>
    %select_n3A_264 = arith.select %and3A_261, %broadcast_in_dim3A_263, %select_n3A_241 : vector<128x20x128xi1>, vector<128x20x128xf32>
    %reduce_max3A_265 = arith.constant dense<0xFF800000> : vector<128x20xf32>
    %reduce_max3A_266 = vector.multi_reduction <maximumf>, %select_n3A_264, %reduce_max3A_265 [2] : vector<128x20x128xf32> to vector<128x20xf32>
    %reduce_max3A_267 = arith.constant dense<0xFF800000> : vector<128xf32>
    %reduce_max3A_268 = vector.multi_reduction <maximumf>, %reduce_max3A_266, %reduce_max3A_267 [1] : vector<128x20xf32> to vector<128xf32>
    %broadcast_in_dim3A_269 = vector.shape_cast %reduce_max3A_268 : vector<128xf32> to vector<128x1x1xf32>
    %eq3A_270 = vector.broadcast %broadcast_in_dim3A_269 : vector<128x1x1xf32> to vector<128x20x128xf32>
    %eq3A_271 = arith.cmpf oeq, %select_n3A_264, %eq3A_270 : vector<128x20x128xf32>
    %jit3A_272 = arith.constant 1073741824 : i32
    %broadcast_in_dim3A_273 = vector.broadcast %jit3A_272 : i32 to vector<128x20x128xi32>
    %select_n3A_274 = arith.select %eq3A_271, %add3A_17, %broadcast_in_dim3A_273 : vector<128x20x128xi1>, vector<128x20x128xi32>
    %reduce_min3A_275 = arith.constant dense<2147483647> : vector<128x20xi32>
    %reduce_min3A_276 = vector.multi_reduction <minsi>, %select_n3A_274, %reduce_min3A_275 [2] : vector<128x20x128xi32> to vector<128x20xi32>
    %reduce_min3A_277 = arith.constant dense<2147483647> : vector<128xi32>
    %reduce_min3A_278 = vector.multi_reduction <minsi>, %reduce_min3A_276, %reduce_min3A_277 [1] : vector<128x20xi32> to vector<128xi32>
    %broadcast_in_dim3A_279 = vector.shape_cast %reduce_max3A_268 : vector<128xf32> to vector<128x1xf32>
    %broadcast_in_dim3A_280 = vector.shape_cast %reduce_min3A_278 : vector<128xi32> to vector<128x1xi32>
    %broadcast_in_dim3A_281 = vector.shape_cast %reduce_min3A_278 : vector<128xi32> to vector<128x1x1xi32>
    %eq3A_282 = vector.broadcast %broadcast_in_dim3A_281 : vector<128x1x1xi32> to vector<128x20x128xi32>
    %eq3A_283 = arith.cmpi eq, %add3A_17, %eq3A_282 : vector<128x20x128xi32>
    %and3A_284 = arith.andi %eq3A_271, %eq3A_283 : vector<128x20x128xi1>
    %jit3A_285 = arith.constant -3.000000e+38 : f32
    %broadcast_in_dim3A_286 = vector.broadcast %jit3A_285 : f32 to vector<128x20x128xf32>
    %select_n3A_287 = arith.select %and3A_284, %broadcast_in_dim3A_286, %select_n3A_264 : vector<128x20x128xi1>, vector<128x20x128xf32>
    %reduce_max3A_288 = arith.constant dense<0xFF800000> : vector<128x20xf32>
    %reduce_max3A_289 = vector.multi_reduction <maximumf>, %select_n3A_287, %reduce_max3A_288 [2] : vector<128x20x128xf32> to vector<128x20xf32>
    %reduce_max3A_290 = arith.constant dense<0xFF800000> : vector<128xf32>
    %reduce_max3A_291 = vector.multi_reduction <maximumf>, %reduce_max3A_289, %reduce_max3A_290 [1] : vector<128x20xf32> to vector<128xf32>
    %broadcast_in_dim3A_292 = vector.shape_cast %reduce_max3A_291 : vector<128xf32> to vector<128x1x1xf32>
    %eq3A_293 = vector.broadcast %broadcast_in_dim3A_292 : vector<128x1x1xf32> to vector<128x20x128xf32>
    %eq3A_294 = arith.cmpf oeq, %select_n3A_287, %eq3A_293 : vector<128x20x128xf32>
    %jit3A_295 = arith.constant 1073741824 : i32
    %broadcast_in_dim3A_296 = vector.broadcast %jit3A_295 : i32 to vector<128x20x128xi32>
    %select_n3A_297 = arith.select %eq3A_294, %add3A_17, %broadcast_in_dim3A_296 : vector<128x20x128xi1>, vector<128x20x128xi32>
    %reduce_min3A_298 = arith.constant dense<2147483647> : vector<128x20xi32>
    %reduce_min3A_299 = vector.multi_reduction <minsi>, %select_n3A_297, %reduce_min3A_298 [2] : vector<128x20x128xi32> to vector<128x20xi32>
    %reduce_min3A_300 = arith.constant dense<2147483647> : vector<128xi32>
    %reduce_min3A_301 = vector.multi_reduction <minsi>, %reduce_min3A_299, %reduce_min3A_300 [1] : vector<128x20xi32> to vector<128xi32>
    %broadcast_in_dim3A_302 = vector.shape_cast %reduce_max3A_291 : vector<128xf32> to vector<128x1xf32>
    %broadcast_in_dim3A_303 = vector.shape_cast %reduce_min3A_301 : vector<128xi32> to vector<128x1xi32>
    %broadcast_in_dim3A_304 = vector.shape_cast %reduce_min3A_301 : vector<128xi32> to vector<128x1x1xi32>
    %eq3A_305 = vector.broadcast %broadcast_in_dim3A_304 : vector<128x1x1xi32> to vector<128x20x128xi32>
    %eq3A_306 = arith.cmpi eq, %add3A_17, %eq3A_305 : vector<128x20x128xi32>
    %and3A_307 = arith.andi %eq3A_294, %eq3A_306 : vector<128x20x128xi1>
    %jit3A_308 = arith.constant -3.000000e+38 : f32
    %broadcast_in_dim3A_309 = vector.broadcast %jit3A_308 : f32 to vector<128x20x128xf32>
    %select_n3A_310 = arith.select %and3A_307, %broadcast_in_dim3A_309, %select_n3A_287 : vector<128x20x128xi1>, vector<128x20x128xf32>
    %reduce_max3A_311 = arith.constant dense<0xFF800000> : vector<128x20xf32>
    %reduce_max3A_312 = vector.multi_reduction <maximumf>, %select_n3A_310, %reduce_max3A_311 [2] : vector<128x20x128xf32> to vector<128x20xf32>
    %reduce_max3A_313 = arith.constant dense<0xFF800000> : vector<128xf32>
    %reduce_max3A_314 = vector.multi_reduction <maximumf>, %reduce_max3A_312, %reduce_max3A_313 [1] : vector<128x20xf32> to vector<128xf32>
    %broadcast_in_dim3A_315 = vector.shape_cast %reduce_max3A_314 : vector<128xf32> to vector<128x1x1xf32>
    %eq3A_316 = vector.broadcast %broadcast_in_dim3A_315 : vector<128x1x1xf32> to vector<128x20x128xf32>
    %eq3A_317 = arith.cmpf oeq, %select_n3A_310, %eq3A_316 : vector<128x20x128xf32>
    %jit3A_318 = arith.constant 1073741824 : i32
    %broadcast_in_dim3A_319 = vector.broadcast %jit3A_318 : i32 to vector<128x20x128xi32>
    %select_n3A_320 = arith.select %eq3A_317, %add3A_17, %broadcast_in_dim3A_319 : vector<128x20x128xi1>, vector<128x20x128xi32>
    %reduce_min3A_321 = arith.constant dense<2147483647> : vector<128x20xi32>
    %reduce_min3A_322 = vector.multi_reduction <minsi>, %select_n3A_320, %reduce_min3A_321 [2] : vector<128x20x128xi32> to vector<128x20xi32>
    %reduce_min3A_323 = arith.constant dense<2147483647> : vector<128xi32>
    %reduce_min3A_324 = vector.multi_reduction <minsi>, %reduce_min3A_322, %reduce_min3A_323 [1] : vector<128x20xi32> to vector<128xi32>
    %broadcast_in_dim3A_325 = vector.shape_cast %reduce_max3A_314 : vector<128xf32> to vector<128x1xf32>
    %broadcast_in_dim3A_326 = vector.shape_cast %reduce_min3A_324 : vector<128xi32> to vector<128x1xi32>
    %broadcast_in_dim3A_327 = vector.shape_cast %reduce_min3A_324 : vector<128xi32> to vector<128x1x1xi32>
    %eq3A_328 = vector.broadcast %broadcast_in_dim3A_327 : vector<128x1x1xi32> to vector<128x20x128xi32>
    %eq3A_329 = arith.cmpi eq, %add3A_17, %eq3A_328 : vector<128x20x128xi32>
    %and3A_330 = arith.andi %eq3A_317, %eq3A_329 : vector<128x20x128xi1>
    %jit3A_331 = arith.constant -3.000000e+38 : f32
    %broadcast_in_dim3A_332 = vector.broadcast %jit3A_331 : f32 to vector<128x20x128xf32>
    %select_n3A_333 = arith.select %and3A_330, %broadcast_in_dim3A_332, %select_n3A_310 : vector<128x20x128xi1>, vector<128x20x128xf32>
    %reduce_max3A_334 = arith.constant dense<0xFF800000> : vector<128x20xf32>
    %reduce_max3A_335 = vector.multi_reduction <maximumf>, %select_n3A_333, %reduce_max3A_334 [2] : vector<128x20x128xf32> to vector<128x20xf32>
    %reduce_max3A_336 = arith.constant dense<0xFF800000> : vector<128xf32>
    %reduce_max3A_337 = vector.multi_reduction <maximumf>, %reduce_max3A_335, %reduce_max3A_336 [1] : vector<128x20xf32> to vector<128xf32>
    %broadcast_in_dim3A_338 = vector.shape_cast %reduce_max3A_337 : vector<128xf32> to vector<128x1x1xf32>
    %eq3A_339 = vector.broadcast %broadcast_in_dim3A_338 : vector<128x1x1xf32> to vector<128x20x128xf32>
    %eq3A_340 = arith.cmpf oeq, %select_n3A_333, %eq3A_339 : vector<128x20x128xf32>
    %jit3A_341 = arith.constant 1073741824 : i32
    %broadcast_in_dim3A_342 = vector.broadcast %jit3A_341 : i32 to vector<128x20x128xi32>
    %select_n3A_343 = arith.select %eq3A_340, %add3A_17, %broadcast_in_dim3A_342 : vector<128x20x128xi1>, vector<128x20x128xi32>
    %reduce_min3A_344 = arith.constant dense<2147483647> : vector<128x20xi32>
    %reduce_min3A_345 = vector.multi_reduction <minsi>, %select_n3A_343, %reduce_min3A_344 [2] : vector<128x20x128xi32> to vector<128x20xi32>
    %reduce_min3A_346 = arith.constant dense<2147483647> : vector<128xi32>
    %reduce_min3A_347 = vector.multi_reduction <minsi>, %reduce_min3A_345, %reduce_min3A_346 [1] : vector<128x20xi32> to vector<128xi32>
    %broadcast_in_dim3A_348 = vector.shape_cast %reduce_max3A_337 : vector<128xf32> to vector<128x1xf32>
    %broadcast_in_dim3A_349 = vector.shape_cast %reduce_min3A_347 : vector<128xi32> to vector<128x1xi32>
    %broadcast_in_dim3A_350 = vector.shape_cast %reduce_min3A_347 : vector<128xi32> to vector<128x1x1xi32>
    %eq3A_351 = vector.broadcast %broadcast_in_dim3A_350 : vector<128x1x1xi32> to vector<128x20x128xi32>
    %eq3A_352 = arith.cmpi eq, %add3A_17, %eq3A_351 : vector<128x20x128xi32>
    %and3A_353 = arith.andi %eq3A_340, %eq3A_352 : vector<128x20x128xi1>
    %jit3A_354 = arith.constant -3.000000e+38 : f32
    %broadcast_in_dim3A_355 = vector.broadcast %jit3A_354 : f32 to vector<128x20x128xf32>
    %select_n3A_356 = arith.select %and3A_353, %broadcast_in_dim3A_355, %select_n3A_333 : vector<128x20x128xi1>, vector<128x20x128xf32>
    %reduce_max3A_357 = arith.constant dense<0xFF800000> : vector<128x20xf32>
    %reduce_max3A_358 = vector.multi_reduction <maximumf>, %select_n3A_356, %reduce_max3A_357 [2] : vector<128x20x128xf32> to vector<128x20xf32>
    %reduce_max3A_359 = arith.constant dense<0xFF800000> : vector<128xf32>
    %reduce_max3A_360 = vector.multi_reduction <maximumf>, %reduce_max3A_358, %reduce_max3A_359 [1] : vector<128x20xf32> to vector<128xf32>
    %broadcast_in_dim3A_361 = vector.shape_cast %reduce_max3A_360 : vector<128xf32> to vector<128x1x1xf32>
    %eq3A_362 = vector.broadcast %broadcast_in_dim3A_361 : vector<128x1x1xf32> to vector<128x20x128xf32>
    %eq3A_363 = arith.cmpf oeq, %select_n3A_356, %eq3A_362 : vector<128x20x128xf32>
    %jit3A_364 = arith.constant 1073741824 : i32
    %broadcast_in_dim3A_365 = vector.broadcast %jit3A_364 : i32 to vector<128x20x128xi32>
    %select_n3A_366 = arith.select %eq3A_363, %add3A_17, %broadcast_in_dim3A_365 : vector<128x20x128xi1>, vector<128x20x128xi32>
    %reduce_min3A_367 = arith.constant dense<2147483647> : vector<128x20xi32>
    %reduce_min3A_368 = vector.multi_reduction <minsi>, %select_n3A_366, %reduce_min3A_367 [2] : vector<128x20x128xi32> to vector<128x20xi32>
    %reduce_min3A_369 = arith.constant dense<2147483647> : vector<128xi32>
    %reduce_min3A_370 = vector.multi_reduction <minsi>, %reduce_min3A_368, %reduce_min3A_369 [1] : vector<128x20xi32> to vector<128xi32>
    %broadcast_in_dim3A_371 = vector.shape_cast %reduce_max3A_360 : vector<128xf32> to vector<128x1xf32>
    %broadcast_in_dim3A_372 = vector.shape_cast %reduce_min3A_370 : vector<128xi32> to vector<128x1xi32>
    %broadcast_in_dim3A_373 = vector.shape_cast %reduce_min3A_370 : vector<128xi32> to vector<128x1x1xi32>
    %eq3A_374 = vector.broadcast %broadcast_in_dim3A_373 : vector<128x1x1xi32> to vector<128x20x128xi32>
    %eq3A_375 = arith.cmpi eq, %add3A_17, %eq3A_374 : vector<128x20x128xi32>
    %and3A_376 = arith.andi %eq3A_363, %eq3A_375 : vector<128x20x128xi1>
    %jit3A_377 = arith.constant -3.000000e+38 : f32
    %broadcast_in_dim3A_378 = vector.broadcast %jit3A_377 : f32 to vector<128x20x128xf32>
    %select_n3A_379 = arith.select %and3A_376, %broadcast_in_dim3A_378, %select_n3A_356 : vector<128x20x128xi1>, vector<128x20x128xf32>
    %reduce_max3A_380 = arith.constant dense<0xFF800000> : vector<128x20xf32>
    %reduce_max3A_381 = vector.multi_reduction <maximumf>, %select_n3A_379, %reduce_max3A_380 [2] : vector<128x20x128xf32> to vector<128x20xf32>
    %reduce_max3A_382 = arith.constant dense<0xFF800000> : vector<128xf32>
    %reduce_max3A_383 = vector.multi_reduction <maximumf>, %reduce_max3A_381, %reduce_max3A_382 [1] : vector<128x20xf32> to vector<128xf32>
    %broadcast_in_dim3A_384 = vector.shape_cast %reduce_max3A_383 : vector<128xf32> to vector<128x1x1xf32>
    %eq3A_385 = vector.broadcast %broadcast_in_dim3A_384 : vector<128x1x1xf32> to vector<128x20x128xf32>
    %eq3A_386 = arith.cmpf oeq, %select_n3A_379, %eq3A_385 : vector<128x20x128xf32>
    %jit3A_387 = arith.constant 1073741824 : i32
    %broadcast_in_dim3A_388 = vector.broadcast %jit3A_387 : i32 to vector<128x20x128xi32>
    %select_n3A_389 = arith.select %eq3A_386, %add3A_17, %broadcast_in_dim3A_388 : vector<128x20x128xi1>, vector<128x20x128xi32>
    %reduce_min3A_390 = arith.constant dense<2147483647> : vector<128x20xi32>
    %reduce_min3A_391 = vector.multi_reduction <minsi>, %select_n3A_389, %reduce_min3A_390 [2] : vector<128x20x128xi32> to vector<128x20xi32>
    %reduce_min3A_392 = arith.constant dense<2147483647> : vector<128xi32>
    %reduce_min3A_393 = vector.multi_reduction <minsi>, %reduce_min3A_391, %reduce_min3A_392 [1] : vector<128x20xi32> to vector<128xi32>
    %broadcast_in_dim3A_394 = vector.shape_cast %reduce_max3A_383 : vector<128xf32> to vector<128x1xf32>
    %broadcast_in_dim3A_395 = vector.shape_cast %reduce_min3A_393 : vector<128xi32> to vector<128x1xi32>
    %broadcast_in_dim3A_396 = vector.shape_cast %reduce_min3A_393 : vector<128xi32> to vector<128x1x1xi32>
    %eq3A_397 = vector.broadcast %broadcast_in_dim3A_396 : vector<128x1x1xi32> to vector<128x20x128xi32>
    %eq3A_398 = arith.cmpi eq, %add3A_17, %eq3A_397 : vector<128x20x128xi32>
    %and3A_399 = arith.andi %eq3A_386, %eq3A_398 : vector<128x20x128xi1>
    %jit3A_400 = arith.constant -3.000000e+38 : f32
    %broadcast_in_dim3A_401 = vector.broadcast %jit3A_400 : f32 to vector<128x20x128xf32>
    %select_n3A_402 = arith.select %and3A_399, %broadcast_in_dim3A_401, %select_n3A_379 : vector<128x20x128xi1>, vector<128x20x128xf32>
    %reduce_max3A_403 = arith.constant dense<0xFF800000> : vector<128x20xf32>
    %reduce_max3A_404 = vector.multi_reduction <maximumf>, %select_n3A_402, %reduce_max3A_403 [2] : vector<128x20x128xf32> to vector<128x20xf32>
    %reduce_max3A_405 = arith.constant dense<0xFF800000> : vector<128xf32>
    %reduce_max3A_406 = vector.multi_reduction <maximumf>, %reduce_max3A_404, %reduce_max3A_405 [1] : vector<128x20xf32> to vector<128xf32>
    %broadcast_in_dim3A_407 = vector.shape_cast %reduce_max3A_406 : vector<128xf32> to vector<128x1x1xf32>
    %eq3A_408 = vector.broadcast %broadcast_in_dim3A_407 : vector<128x1x1xf32> to vector<128x20x128xf32>
    %eq3A_409 = arith.cmpf oeq, %select_n3A_402, %eq3A_408 : vector<128x20x128xf32>
    %jit3A_410 = arith.constant 1073741824 : i32
    %broadcast_in_dim3A_411 = vector.broadcast %jit3A_410 : i32 to vector<128x20x128xi32>
    %select_n3A_412 = arith.select %eq3A_409, %add3A_17, %broadcast_in_dim3A_411 : vector<128x20x128xi1>, vector<128x20x128xi32>
    %reduce_min3A_413 = arith.constant dense<2147483647> : vector<128x20xi32>
    %reduce_min3A_414 = vector.multi_reduction <minsi>, %select_n3A_412, %reduce_min3A_413 [2] : vector<128x20x128xi32> to vector<128x20xi32>
    %reduce_min3A_415 = arith.constant dense<2147483647> : vector<128xi32>
    %reduce_min3A_416 = vector.multi_reduction <minsi>, %reduce_min3A_414, %reduce_min3A_415 [1] : vector<128x20xi32> to vector<128xi32>
    %broadcast_in_dim3A_417 = vector.shape_cast %reduce_max3A_406 : vector<128xf32> to vector<128x1xf32>
    %broadcast_in_dim3A_418 = vector.shape_cast %reduce_min3A_416 : vector<128xi32> to vector<128x1xi32>
    %broadcast_in_dim3A_419 = vector.shape_cast %reduce_min3A_416 : vector<128xi32> to vector<128x1x1xi32>
    %eq3A_420 = vector.broadcast %broadcast_in_dim3A_419 : vector<128x1x1xi32> to vector<128x20x128xi32>
    %eq3A_421 = arith.cmpi eq, %add3A_17, %eq3A_420 : vector<128x20x128xi32>
    %and3A_422 = arith.andi %eq3A_409, %eq3A_421 : vector<128x20x128xi1>
    %jit3A_423 = arith.constant -3.000000e+38 : f32
    %broadcast_in_dim3A_424 = vector.broadcast %jit3A_423 : f32 to vector<128x20x128xf32>
    %select_n3A_425 = arith.select %and3A_422, %broadcast_in_dim3A_424, %select_n3A_402 : vector<128x20x128xi1>, vector<128x20x128xf32>
    %reduce_max3A_426 = arith.constant dense<0xFF800000> : vector<128x20xf32>
    %reduce_max3A_427 = vector.multi_reduction <maximumf>, %select_n3A_425, %reduce_max3A_426 [2] : vector<128x20x128xf32> to vector<128x20xf32>
    %reduce_max3A_428 = arith.constant dense<0xFF800000> : vector<128xf32>
    %reduce_max3A_429 = vector.multi_reduction <maximumf>, %reduce_max3A_427, %reduce_max3A_428 [1] : vector<128x20xf32> to vector<128xf32>
    %broadcast_in_dim3A_430 = vector.shape_cast %reduce_max3A_429 : vector<128xf32> to vector<128x1x1xf32>
    %eq3A_431 = vector.broadcast %broadcast_in_dim3A_430 : vector<128x1x1xf32> to vector<128x20x128xf32>
    %eq3A_432 = arith.cmpf oeq, %select_n3A_425, %eq3A_431 : vector<128x20x128xf32>
    %jit3A_433 = arith.constant 1073741824 : i32
    %broadcast_in_dim3A_434 = vector.broadcast %jit3A_433 : i32 to vector<128x20x128xi32>
    %select_n3A_435 = arith.select %eq3A_432, %add3A_17, %broadcast_in_dim3A_434 : vector<128x20x128xi1>, vector<128x20x128xi32>
    %reduce_min3A_436 = arith.constant dense<2147483647> : vector<128x20xi32>
    %reduce_min3A_437 = vector.multi_reduction <minsi>, %select_n3A_435, %reduce_min3A_436 [2] : vector<128x20x128xi32> to vector<128x20xi32>
    %reduce_min3A_438 = arith.constant dense<2147483647> : vector<128xi32>
    %reduce_min3A_439 = vector.multi_reduction <minsi>, %reduce_min3A_437, %reduce_min3A_438 [1] : vector<128x20xi32> to vector<128xi32>
    %broadcast_in_dim3A_440 = vector.shape_cast %reduce_max3A_429 : vector<128xf32> to vector<128x1xf32>
    %broadcast_in_dim3A_441 = vector.shape_cast %reduce_min3A_439 : vector<128xi32> to vector<128x1xi32>
    %broadcast_in_dim3A_442 = vector.shape_cast %reduce_min3A_439 : vector<128xi32> to vector<128x1x1xi32>
    %eq3A_443 = vector.broadcast %broadcast_in_dim3A_442 : vector<128x1x1xi32> to vector<128x20x128xi32>
    %eq3A_444 = arith.cmpi eq, %add3A_17, %eq3A_443 : vector<128x20x128xi32>
    %and3A_445 = arith.andi %eq3A_432, %eq3A_444 : vector<128x20x128xi1>
    %jit3A_446 = arith.constant -3.000000e+38 : f32
    %broadcast_in_dim3A_447 = vector.broadcast %jit3A_446 : f32 to vector<128x20x128xf32>
    %select_n3A_448 = arith.select %and3A_445, %broadcast_in_dim3A_447, %select_n3A_425 : vector<128x20x128xi1>, vector<128x20x128xf32>
    %reduce_max3A_449 = arith.constant dense<0xFF800000> : vector<128x20xf32>
    %reduce_max3A_450 = vector.multi_reduction <maximumf>, %select_n3A_448, %reduce_max3A_449 [2] : vector<128x20x128xf32> to vector<128x20xf32>
    %reduce_max3A_451 = arith.constant dense<0xFF800000> : vector<128xf32>
    %reduce_max3A_452 = vector.multi_reduction <maximumf>, %reduce_max3A_450, %reduce_max3A_451 [1] : vector<128x20xf32> to vector<128xf32>
    %broadcast_in_dim3A_453 = vector.shape_cast %reduce_max3A_452 : vector<128xf32> to vector<128x1x1xf32>
    %eq3A_454 = vector.broadcast %broadcast_in_dim3A_453 : vector<128x1x1xf32> to vector<128x20x128xf32>
    %eq3A_455 = arith.cmpf oeq, %select_n3A_448, %eq3A_454 : vector<128x20x128xf32>
    %jit3A_456 = arith.constant 1073741824 : i32
    %broadcast_in_dim3A_457 = vector.broadcast %jit3A_456 : i32 to vector<128x20x128xi32>
    %select_n3A_458 = arith.select %eq3A_455, %add3A_17, %broadcast_in_dim3A_457 : vector<128x20x128xi1>, vector<128x20x128xi32>
    %reduce_min3A_459 = arith.constant dense<2147483647> : vector<128x20xi32>
    %reduce_min3A_460 = vector.multi_reduction <minsi>, %select_n3A_458, %reduce_min3A_459 [2] : vector<128x20x128xi32> to vector<128x20xi32>
    %reduce_min3A_461 = arith.constant dense<2147483647> : vector<128xi32>
    %reduce_min3A_462 = vector.multi_reduction <minsi>, %reduce_min3A_460, %reduce_min3A_461 [1] : vector<128x20xi32> to vector<128xi32>
    %broadcast_in_dim3A_463 = vector.shape_cast %reduce_max3A_452 : vector<128xf32> to vector<128x1xf32>
    %broadcast_in_dim3A_464 = vector.shape_cast %reduce_min3A_462 : vector<128xi32> to vector<128x1xi32>
    %concatenate3A = tpu.concatenate %broadcast_in_dim3A_27, %broadcast_in_dim3A_49, %broadcast_in_dim3A_72, %broadcast_in_dim3A_95, %broadcast_in_dim3A_118, %broadcast_in_dim3A_141, %broadcast_in_dim3A_164, %broadcast_in_dim3A_187, %broadcast_in_dim3A_210, %broadcast_in_dim3A_233, %broadcast_in_dim3A_256, %broadcast_in_dim3A_279, %broadcast_in_dim3A_302, %broadcast_in_dim3A_325, %broadcast_in_dim3A_348, %broadcast_in_dim3A_371, %broadcast_in_dim3A_394, %broadcast_in_dim3A_417, %broadcast_in_dim3A_440, %broadcast_in_dim3A_463 in 1 : vector<128x1xf32>, vector<128x1xf32>, vector<128x1xf32>, vector<128x1xf32>, vector<128x1xf32>, vector<128x1xf32>, vector<128x1xf32>, vector<128x1xf32>, vector<128x1xf32>, vector<128x1xf32>, vector<128x1xf32>, vector<128x1xf32>, vector<128x1xf32>, vector<128x1xf32>, vector<128x1xf32>, vector<128x1xf32>, vector<128x1xf32>, vector<128x1xf32>, vector<128x1xf32>, vector<128x1xf32> -> vector<128x20xf32>
    %swap3A = arith.constant 0 : index
    %swap3A_465 = arith.constant 0 : index
    %swap3A_466 = vector.load %arg3[%swap3A, %swap3A_465] : memref<128x20xf32, #tpu.memory_space<vmem>>, vector<128x20xf32>
    tpu.vector_store %arg3[%swap3A, %swap3A_465], %concatenate3A {strides = array<i32>} : memref<128x20xf32, #tpu.memory_space<vmem>>, vector<128x20xf32>,
    %concatenate3A_467 = tpu.concatenate %broadcast_in_dim3A_28, %broadcast_in_dim3A_50, %broadcast_in_dim3A_73, %broadcast_in_dim3A_96, %broadcast_in_dim3A_119, %broadcast_in_dim3A_142, %broadcast_in_dim3A_165, %broadcast_in_dim3A_188, %broadcast_in_dim3A_211, %broadcast_in_dim3A_234, %broadcast_in_dim3A_257, %broadcast_in_dim3A_280, %broadcast_in_dim3A_303, %broadcast_in_dim3A_326, %broadcast_in_dim3A_349, %broadcast_in_dim3A_372, %broadcast_in_dim3A_395, %broadcast_in_dim3A_418, %broadcast_in_dim3A_441, %broadcast_in_dim3A_464 in 1 : vector<128x1xi32>, vector<128x1xi32>, vector<128x1xi32>, vector<128x1xi32>, vector<128x1xi32>, vector<128x1xi32>, vector<128x1xi32>, vector<128x1xi32>, vector<128x1xi32>, vector<128x1xi32>, vector<128x1xi32>, vector<128x1xi32>, vector<128x1xi32>, vector<128x1xi32>, vector<128x1xi32>, vector<128x1xi32>, vector<128x1xi32>, vector<128x1xi32>, vector<128x1xi32>, vector<128x1xi32> -> vector<128x20xi32>
    %swap3A_468 = arith.constant 0 : index
    %swap3A_469 = arith.constant 0 : index
    %swap3A_470 = vector.load %arg4[%swap3A_468, %swap3A_469] : memref<128x20xi32, #tpu.memory_space<vmem>>, vector<128x20xi32>
    tpu.vector_store %arg4[%swap3A_468, %swap3A_469], %concatenate3A_467 {strides = array<i32>} : memref<128x20xi32, #tpu.memory_space<vmem>>, vector<128x20xi32>,
    return
  }
  func.func @transform_0(%arg0: i32) -> (i32, i32, i32) {
    %c0_i32 = arith.constant 0 : i32
    %c0_i32_0 = arith.constant 0 : i32
    %c0_i32_1 = arith.constant 0 : i32
    return %arg0, %c0_i32, %c0_i32_0 : i32, i32, i32
  }
  func.func @transform_1(%arg0: i32) -> (i32, i32) {
    %c0_i32 = arith.constant 0 : i32
    %c0_i32_0 = arith.constant 0 : i32
    return %arg0, %c0_i32 : i32, i32
  }
  func.func @transform_2(%arg0: i32) -> (i32, i32) {
    %c0_i32 = arith.constant 0 : i32
    %c0_i32_0 = arith.constant 0 : i32
    return %arg0, %c0_i32 : i32, i32
  }
  func.func @transform_3(%arg0: i32) -> (i32, i32) {
    %c0_i32 = arith.constant 0 : i32
    %c0_i32_0 = arith.constant 0 : i32
    return %arg0, %c0_i32 : i32, i32
  }
}

</mosaic_0001>

<sc_bundles>
// kernel: gather_offload_async_start
scs
__scs_entry_jumppad:
0x0: {  	(pc) =	sbr.rel $0x88, $3  }
0x1: {  	(tag) =	ssettag $0x0;
	lr =	simm.s32 $0x1  }
0x2: {  	[smem:$0x3F5C] =	sst lr;
	_ =	strace $0xD0000000  }
0x3: {  	_ = 	snop  }
0x4: {  	_ = 	snop  }
0x5: {  	_ = 	snop  }
0x6: {  	_ = 	snop  }
0x7: {  	_ = 	snop  }
__scs_overlays_trampoline_lowered:
0x8: {  	[smem:$0x3F6B] =	sst s0  }
0x9: {  	[smem:$0x3F6C] =	sst s1  }
0xa: {  	[smem:$0x3F6D] =	sst s2  }
0xb: {  	[smem:$0x3F6E] =	sst s3  }
0xc: {  	[smem:$0x3F6F] =	sst s4  }
0xd: {  	[smem:$0x3F70] =	sst s5  }
0xe: {  	[smem:$0x3F71] =	sst s6  }
0xf: {  	[smem:$0x3F72] =	sst s7  }
0x10: {  	[smem:$0x3F73] =	sst s8  }
0x11: {  	[smem:$0x3F74] =	sst s9;
	s0 =	simm.s32 @!p0 $0x0  }
0x12: {  	s1 =	sld [smem:$0x3F5A];
	s0 =	simm.s32 @p0 $0x1  }
0x13: {  	[smem:$0x3F75] =	sst s0;
	s0 =	simm.s32 @!p1 $0x0  }
0x14: {  	s2 =	sld [smem:$0x3F59];
	s0 =	simm.s32 @p1 $0x1  }
0x15: {  	[smem:$0x3F76] =	sst s0;
	s0 =	simm.s32 @!p2 $0x0  }
0x16: {  	s3 =	sld [smem:$0x3FDB];
	s0 =	simm.s32 @p2 $0x1  }
0x17: {  	s4 =	simm.s32 $0x1BF5;
	[smem:$0x3F78] =	sst s0  }
0x18: {  	s0 =	sld [smem:$0x3F5B];
	_ =	swait.ge [sflag:s4], $0x0  }
0x19: {  	s7 =	sld [smem:$0x3F5C]  }
0x1a: {  	s8 =	sadd.s32 $0xFFFFE003, lr  }
0x1b: {  	s9 =	sadd.s32 $0xFFFFFEF7, lr;
	s5 =	simm.s32 $0xFFFFFFFF;
	p2 =	slt.u32 s8, $0xFFFFF086  }
0x1c: {  	p1 =	slt.u32 s9, $0xF7A;
	s5 =	simm.s32 @!p2 $0x0  }
0x1d: {  	s5 =	simm.s32 @p1 $0x1;
	p0 =	seq.s32 s7, s2  }
0x1e: {  	s7 =	smul.u32 @!p0 $0xF7A, s2;
	p2 =	seq.s32 @!p0 s5, $0x0  }
0x1f: {  	s9 =	smul.u32 $0xF7A, s1;
	s8 =	simm.s32 @!p0 $0x1BF5;
	p2 =	por !p2, p0  }
0x20: {  	[sflag:s8] =	ssyncset.s32 @!p0 $0xFFFFF086;
	s6 =	sadd.s32 @!p0 s3, s7;
	s7 =	simm.s32 @!p0 $0x108  }
0x21: {  	s3 =	sadd.s32 s3, s9;
	s6 =	sadd.s32 @!p0 $0x88, s6;
	s7 =	simm.s32 @p2 $0x1082  }
0x22: {  	[simem:s7], [sflag:s8] =	dma.local @!p0 [hbm:s6], $0xF7A  }
0x23: {  	s9 =	sor.u32 $0xD0000000, s2;
	s6 =	simm.s32 $0x108;
	_ =	swait.ge @!p0 [sflag:s8], $0x0  }
0x24: {  	s3 =	sadd.s32 $0x88, s3;
	s6 =	simm.s32 @!p1 $0x1082;
	[sflag:s4] =	ssyncset.s32 $0xFFFFF086  }
0x25: {  	[simem:s6], [sflag:s4] =	dma.local [hbm:s3], $0xF7A  }
0x26: {  	[smem:$0x3F5C] =	sst s1;
	(tag) =	ssettag s2;
	_ =	strace s9  }
0x27: {  	s1 =	sld [smem:$0x3F6C]  }
0x28: {  	s2 =	sld [smem:$0x3F6D]  }
0x29: {  	s4 =	sld [smem:$0x3F6F]  }
0x2a: {  	p0 =	seq.s32 s5, $0x0;
	s5 =	sld [smem:$0x3F70]  }
0x2b: {  	s6 =	sld [smem:$0x3F71]  }
0x2c: {  	s7 =	sld [smem:$0x3F72]  }
0x2d: {  	s3 =	simm.s32 $0x108;
	s8 =	sld [smem:$0x3F73]  }
0x2e: {  	s3 =	simm.s32 @!p0 $0x1082;
	s9 =	sld [smem:$0x3F74]  }
0x2f: {  	lr =	sadd.s32 s0, s3;
	s0 =	sld [smem:$0x3F6B]  }
0x30: {  	s3 =	sld [smem:$0x3F6E]  }
0x31: {  	[smem:$0x3F77] =	sst s10  }
0x32: {  	s10 =	sld [smem:$0x3F75];
	_ =	sdelay $0x3  }
0x33: {  	p0 =	seq.s32 s10, $0x1;
	s10 =	sld [smem:$0x3F77];
	_ =	sdelay $0x3  }
0x34: {  	[smem:$0x3F77] =	sst s10  }
0x35: {  	s10 =	sld [smem:$0x3F76];
	_ =	sdelay $0x3  }
0x36: {  	p1 =	seq.s32 s10, $0x1;
	s10 =	sld [smem:$0x3F77];
	_ =	sdelay $0x3  }
0x37: {  	[smem:$0x3F77] =	sst s10  }
0x38: {  	s10 =	sld [smem:$0x3F78]  }
0x39: {  	_ = 	snop;
	(pc) =	sbr.ind lr, $3  }
0x3a: {  	_ = 	snop  }
0x3b: {  	_ = 	snop  }
0x3c: {  	p2 =	seq.s32 s10, $0x1;
	s10 =	sld [smem:$0x3F77]  }
0x3d: {  	_ =	shalt  }
0x3e: {  	_ =	shalt  }
0x3f: {  	_ =	shalt  }
0x40: {  	_ =	shalt  }
0x41: {  	_ =	shalt  }
0x42: {  	_ =	shalt  }
0x43: {  	_ =	shalt  }
0x44: {  	_ =	shalt  }
0x45: {  	_ =	shalt  }
0x46: {  	_ =	shalt  }
0x47: {  	_ =	shalt  }
0x48: {  	_ =	shalt  }
0x49: {  	_ =	shalt  }
0x4a: {  	_ =	shalt  }
0x4b: {  	_ =	shalt  }
0x4c: {  	_ =	shalt  }
0x4d: {  	_ =	shalt  }
0x4e: {  	_ =	shalt  }
0x4f: {  	_ =	shalt  }
0x50: {  	_ =	shalt  }
0x51: {  	_ =	shalt  }
0x52: {  	_ =	shalt  }
0x53: {  	_ =	shalt  }
0x54: {  	_ =	shalt  }
0x55: {  	_ =	shalt  }
0x56: {  	_ =	shalt  }
0x57: {  	_ =	shalt  }
0x58: {  	_ =	shalt  }
0x59: {  	_ =	shalt  }
0x5a: {  	_ =	shalt  }
0x5b: {  	_ =	shalt  }
0x5c: {  	_ =	shalt  }
0x5d: {  	_ =	shalt  }
0x5e: {  	_ =	shalt  }
0x5f: {  	_ =	shalt  }
0x60: {  	_ =	shalt  }
0x61: {  	_ =	shalt  }
0x62: {  	_ =	shalt  }
0x63: {  	_ =	shalt  }
0x64: {  	_ =	shalt  }
0x65: {  	_ =	shalt  }
0x66: {  	_ =	shalt  }
0x67: {  	_ =	shalt  }
0x68: {  	_ =	shalt  }
0x69: {  	_ =	shalt  }
0x6a: {  	_ =	shalt  }
0x6b: {  	_ =	shalt  }
0x6c: {  	_ =	shalt  }
0x6d: {  	_ =	shalt  }
0x6e: {  	_ =	shalt  }
0x6f: {  	_ =	shalt  }
0x70: {  	_ =	shalt  }
0x71: {  	_ =	shalt  }
0x72: {  	_ =	shalt  }
0x73: {  	_ =	shalt  }
0x74: {  	_ =	shalt  }
0x75: {  	_ =	shalt  }
0x76: {  	_ =	shalt  }
0x77: {  	_ =	shalt  }
0x78: {  	_ =	shalt  }
0x79: {  	_ =	shalt  }
0x7a: {  	_ =	shalt  }
0x7b: {  	_ =	shalt  }
0x7c: {  	_ =	shalt  }
0x7d: {  	_ =	shalt  }
0x7e: {  	_ =	shalt  }
0x7f: {  	_ =	shalt  }
0x80: {  	_ =	shalt  }
0x81: {  	_ =	shalt  }
0x82: {  	_ =	shalt  }
0x83: {  	_ =	shalt  }
0x84: {  	_ =	shalt  }
0x85: {  	_ =	shalt  }
0x86: {  	_ =	shalt  }
0x87: {  	_ =	shalt  }
.Lfunc_end0:
.L_simem_size_0:
called_computation_lowered:
.L_overlay_start_0:
0x88: {  	s2 =	sld [smem:$0x3FD9]  }
0x89: {  	s3 =	sld [smem:$0x3FFE];
	_ =	sdelay $0x1  }
0x8a: {  	s1 =	srdreg.scid  }
0x8b: {  	s0 =	sand.u32 $0x1, s1  }
0x8c: {  	s16 =	sshll.u32 s0, $0xA;
	s2 =	sadd.s32 s3, s2  }
0x8d: {  	s2 =	sadd.s32 s2, s16  }
0x8e: {  	[smem:$0x3F83] =	sst s2  }
0x8f: {  	_ = 	snop  }
0x90: {  	(tm) =	ssettm $0x1  }
0x91: {  	s17 =	sld [smem:$0x3FFB];
	_ =	sdelay $0x3  }
0x92: {  	_ =	strace s17  }
0x93: {  	s2 =	sld [smem:$0x3FFC];
	_ =	sdelay $0x3  }
0x94: {  	_ =	strace s2  }
0x95: {  	s2 =	sld [smem:$0x3FFD];
	_ =	sdelay $0x3  }
0x96: {  	_ =	strace s2  }
0x97: {  	_ =	strace $0x8FFFFFFF  }
0x98: {  	s18 =	sld [smem:$0x3FDB];
	_ =	sdelay $0x1  }
0x99: {  	s19 =	simm.s32 $_scs_section_size  }
0x9a: {  	s4 =	simm.s32 $_size__tile_overlayer_lowered;
	s5 =	simm.s32 $_tile_overlayer_lowered  }
0x9b: {  	s22 =	simm.s32 $0x1BFF;
	s21 =	sshll.u32 s5, $0x1;
	s2 =	sadd.s32 s19, s18  }
0x9c: {  	s6 =	simm.s32 $0x0;
	s20 =	sshll.u32 s4, $0x1;
	s4 =	sadd.s32 s21, s2  }
0x9d: {  	[timem:s6], [sflag:s22] =	dma.local [hbm:s4], s20  }
0x9e: {  	_ =	swait.ge [sflag:s22], s20  }
0x9f: {  	s3 =	ssub.s32 $0x0, s20;
	[sflag:s22] =	ssyncset.done $0x0  }
0xa0: {  	[sflag:s22] =	ssyncadd.s32 s3;
	_ =	sdelay $0x1  }
0xa1: {  	s23 =	simm.s32 $0x1B8B  }
0xa2: {  	_ =	swait.ge [sflag:s23], $0x1  }
0xa3: {  	[sflag:s23] =	ssyncset.done $0x0  }
0xa4: {  	s25 =	simm.s32 $0x1B8E;
	s24 =	sld [smem:$0x3FFE];
	[sflag:s23] =	ssyncadd.s32 $0xFFFFFFFF  }
0xa5: {  	s26 =	simm.s32 $execute0_lowered;
	[smem:$0x3FD2] =	sst s25  }
0xa6: {  	s4 =	sshll.u32 s26, $0x1;
	_ =	strace $0x80000046;
	[dreg:$0x1] =	wrdreg $0xFFFFFFFF  }
0xa7: {  	s28 =	simm.s32 $_size_execute0_lowered;
	s2 =	sadd.s32 s2, s4;
	[dreg:$0x0] =	wrdreg $0x0  }
0xa8: {  	s4 =	sshll.u32 s28, $0x1;
	[dreg:$0x2] =	wrdreg s2  }
0xa9: {  	[dreg:$0x3] =	wrdreg s4  }
0xaa: {  	[dreg:$0x4] =	wrdreg $0xC0  }
0xab: {  	_ =	task [dreg:s6], $0x5FFFF  }
0xac: {  	[dreg:$0x1] =	wrdreg $0xFFFFFFFF  }
0xad: {  	[dreg:$0x0] =	wrdreg $0x60  }
0xae: {  	[dreg:$0x2] =	wrdreg s24  }
0xaf: {  	[dreg:$0x3] =	wrdreg $0x9  }
0xb0: {  	_ =	task.clear_ibuf [dreg:s6], $0x4FFFF;
	_ =	strace $0x90000046  }
0xb1: {  	s29 =	simm.s32 $0x9;
	_ =	strace $0x80000048  }
0xb2: {  	_ =	swait.ge [sflag:s29], $0x1  }
0xb3: {  	[sflag:s29] =	ssyncadd.s32 $0xFFFFFFFF  }
0xb4: {  	_ =	strace $0x90000048  }
0xb5: {  	_ =	sfence  }
0xb6: {  	s30 =	sld [smem:$0x0];
	_ =	sdelay $0x2  }
0xb7: {  	s31 =	sshll.u32 s1, $0xD;
	s1 =	sshrl.u32 s1, $0x2  }
0xb8: {  	s3 =	sand.u32 $0x4000, s31;
	s1 =	sadd.s32 s1, s30  }
0xb9: {  	s0 =	sor.u32 s3, s0;
	s1 =	sshll.u32 s1, $0x11  }
0xba: {  	s0 =	sor.u32 s1, s0  }
0xbb: {  	s0 =	sadd.s32 $0x8F2B, s0  }
0xbc: {  	[sflag:s0] =	ssyncadd.remote.s32 $0x1  }
0xbd: {  	_ =	sfence.sel $0xFFFF  }
0xbe: {  	[dreg:$0x0] =	wrdreg $0xFFFFFFFF;
	(pc) =	sbr.abs _section_cstart, $3  }
0xbf: {  	[dreg:$0x1] =	wrdreg $0xFFFFFFFF  }
0xc0: {  	_ =	task.clear_ibuf [dreg:s6], $0x2FFFF;
	_ =	strace $0x9FFFFFFF  }
0xc1: {  	(tm) =	ssettm $0x7FFFFFFF  }
tec
execute0_lowered:
.L_overlay_start_1:
0x0: {  	(tag) =	ssettag $0x1  }
0x1: {  	s7 =	rddreg [dreg:$0x0]  }
0x2: {  	s1 =	srdreg.scid;
	s0 =	rddreg [dreg:$0x1]  }
0x3: {  	_ =	strace $0x80000047;
	s3 =	simm.s32 $0x1;
	s5 =	simm.s32 $0x2  }
0x4: {  	s9 =	simm.s32 $0x3;
	s11 =	simm.s32 $0x0;
	s2 =	sshll.u32 s1, $0x4  }
.Ltmp0:
0x5: {  	s1 =	stileid.u32;
	s4 =	sand.u32 $0x10, s2;
	(pc) =	sbr.rel .LBB2_1-.Ltmp0, $4  }
0x6: {  	p0 =	por $0x0, $0x0;
	[sflag:s3] =	ssyncpa.u1 $0x0;
	s4 =	sor.u32 s1, s4  }
0x7: {  	s6 =	sadd.s32 $0xBE00, s7;
	[sflag:s5] =	ssyncpa.u1 $0x0;
	s4 =	smul.u32 $0x640, s4  }
0x8: {  	s2 =	sadd.s32 $0x11800, s7;
	s7 =	sadd.s32 $0x1FE000, s7;
	[sflag:s9] =	ssyncpa.u1 $0x0  }
0x9: {  	vm0 =	vmmov $0xff;
	vm1 =	vcmask $0x3F20;
	s9 =	simm.s32 $0x0;
	s8 =	sadd.s32 $0x640, s4;
	s10 =	smov.u32 s4  }
.LBB2_6:
0xa: {  	[hbm:s15] =	stream.linear.scatter [tilespmem:s12], [sflag:$0x3], $0x400, $0x38;
	[tilespmem:$0x14280] =	vst v63  }
.LBB2_7:
0xb: {  	p1 =	slt.u32 s9, $0x2;
	s11 =	sadd.s32 $0x140, s10  }
0xc: {  	s13 =	smov.u32 s4;
	s9 =	sadd.s32 $0x1, s9;
	p2 =	slt.s32 s11, s8  }
0xd: {  	s13 =	smov.u32 @p2 s11;
	p2 =	sne.s32 s9, $0x7  }
.Ltmp1:
0xe: {  	_ = 	snop;
	(pc) =	sbr.rel @!p2 .LBB2_8-.Ltmp1, $4  }
0xf: {  	s12 =	simm.s32 @!p1 $0x3  }
0x10: {  	_ =	swait.ge @!p1 [sflag:s12], $0xA000  }
0x11: {  	p0 =	por !p0, !p0;
	[sflag:s12] =	ssyncset.done @!p1 $0x0  }
0x12: {  	s11 =	smov.u32 s10;
	s10 =	smov.u32 s13;
	[sflag:s12] =	ssyncadd.s32 @!p1 $0xFFFF6000  }
.LBB2_1:
0x13: {  	p1 =	sgt.u32 s9, $0x4  }
0x14: {  	s12 =	sxor.u32 @!p1 $0xFFFFFFFF, s9  }
0x15: {  	s12 =	sand.u32 @!p1 $0x1, s12  }
0x16: {  	s12 =	smul.u32 @!p1 $0x500, s12  }
0x17: {  	s31 =	sadd.s32 $0xFFFFFFFF, s9;
	s13 =	sshrl.u32 @!p1 s10, $0x3  }
0x18: {  	s14 =	sand.u32 @!p1 $0x7, s10;
	s13 =	sadd.s32 @!p1 s6, s13;
	s12 =	sshrl.u32 @!p1 s12, $0x2  }
0x19: {  	[tilespmem:s12], [sflag:$0x2] =	stream.linear.gather @!p1 [hbm4b:s13+s14], $0x140, $0x38;
	[tilespmem:$0x14280] =	vst v63  }
0x1a: {  	p1 =	sgt.u32 s31, $0x4  }
.Ltmp2:
0x1b: {  	_ = 	snop;
	(pc) =	sbr.rel @p1 .LBB2_7-.Ltmp2, $1  }
0x1c: {  	_ =	sdelay $0x3  }
0x1d: {  	s12 =	simm.s32 $0x1  }
0x1e: {  	s12 =	simm.s32 @!p0 $0x0  }
0x1f: {  	s13 =	smul.u32 $0x500, s12  }
0x20: {  	_ =	swait.ge [sflag:s5], $0x140  }
0x21: {  	[sflag:s5] =	ssyncset.done $0x0;
	s14 =	sshrl.u32 s13, $0x2  }
0x22: {  	[sflag:s5] =	ssyncadd.s32 $0xFFFFFEC0;
	s13 =	sadd.s32 $0x0, s14  }
0x23: {  	v0 =	vld.msk [tilespmem:s13+$0x0 ss:$0x1], $0xffff;
	_ =	sdelay $0x4  }
0x24: {  	vm2 =	vgt.s32 v0, $0x0  }
0x25: {  	v0 =	vnsel vm2, $0x0, v0  }
0x26: {  	v0 =	vmin.u32 v0, $0x186A0  }
0x27: {  	v0 =	vshll.u32 v0, $0x4  }
0x28: {  	s12 =	smul.u32 $0x28000, s12;
	_ =	sdelay $0x1  }
0x29: {  	s12 =	sshrl.u32 s12, $0x2  }
0x2a: {  	s12 =	sor.u32 $0x280, s12  }
0x2b: {  	[tilespmem:s12], [sflag:$0x1] =	stream.indirect_vreg.gather [hbm:s2], $0x80, v0, vm0, $0x38;
	[tilespmem:$0x14280] =	vst v63  }
0x2c: {  	s15 =	sadd.s32 $0x10, s14;
	s13 =	sadd.s32 $0x400, s12  }
0x2d: {  	[tilespmem:s13], [sflag:$0x1] =	stream.indirect_vreg.gather [hbm:s2], $0x80, v0, vm1, $0x38;
	[tilespmem:$0x14280] =	vst v63  }
0x2e: {  	s16 =	simm.s32 $0x80;
	v0 =	vld.msk [tilespmem:s15+$0x0 ss:$0x1], $0xffff;
	s15 =	smov.u32 s12  }
.LBB2_3:
0x2f: {  	p1 =	sne.s32 s16, $0x4C0;
	_ =	sdelay $0x4  }
0x30: {  	vm2 =	vgt.s32 v0, $0x0  }
0x31: {  	v0 =	vnsel vm2, $0x0, v0  }
0x32: {  	v0 =	vmin.u32 v0, $0x186A0  }
0x33: {  	v0 =	vshll.u32 v0, $0x4;
	_ =	sdelay $0x3  }
.Ltmp3:
0x34: {  	s17 =	sshra.s32 s16, $0x2;
	s15 =	sadd.s32 $0x800, s15;
	(pc) =	sbr.rel @p1 .LBB2_3-.Ltmp3, $4  }
0x35: {  	[tilespmem:s15], [sflag:$0x1] =	stream.indirect_vreg.gather [hbm:s2], $0x80, v0, vm0, $0x38;
	[tilespmem:$0x14280] =	vst v63  }
0x36: {  	s17 =	sadd.s32 s17, s14;
	s18 =	sadd.s32 $0x400, s15  }
0x37: {  	[tilespmem:s18], [sflag:$0x1] =	stream.indirect_vreg.gather [hbm:s2], $0x80, v0, vm1, $0x38;
	[tilespmem:$0x14280] =	vst v63  }
0x38: {  	s16 =	sadd.s32 $0x40, s16;
	v0 =	vld.msk [tilespmem:s17+$0x0 ss:$0x1], $0xffff  }
0x39: {  	_ =	sdelay $0x3  }
0x3a: {  	vm2 =	vgt.s32 v0, $0x0  }
0x3b: {  	v0 =	vnsel vm2, $0x0, v0  }
0x3c: {  	v0 =	vmin.u32 v0, $0x186A0  }
0x3d: {  	v0 =	vshll.u32 v0, $0x4;
	_ =	sdelay $0x3  }
0x3e: {  	s14 =	sadd.s32 $0x800, s15  }
0x3f: {  	[tilespmem:s14], [sflag:$0x1] =	stream.indirect_vreg.gather [hbm:s2], $0x80, v0, vm0, $0x38;
	[tilespmem:$0x14280] =	vst v63  }
0x40: {  	s14 =	sadd.s32 $0x400, s14  }
0x41: {  	[tilespmem:s14], [sflag:$0x1] =	stream.indirect_vreg.gather [hbm:s2], $0x80, v0, vm1, $0x38;
	[tilespmem:$0x14280] =	vst v63  }
0x42: {  	s11 =	sshll.u32 s11, $0x4;
	_ =	swait.ge [sflag:s3], $0xA000  }
0x43: {  	s11 =	sadd.s32 s11, s7;
	[sflag:s3] =	ssyncset.done $0x0  }
0x44: {  	s15 =	sadd.s32 $0x0, s11;
	s14 =	simm.s32 $0x80;
	[sflag:s3] =	ssyncadd.s32 $0xFFFF6000  }
.LBB2_5:
0x45: {  	[hbm:s15] =	stream.linear.scatter [tilespmem:s12], [sflag:$0x3], $0x400, $0x38;
	[tilespmem:$0x14280] =	vst v63  }
0x46: {  	s15 =	smov.u32 s14;
	s12 =	smov.u32 s13;
	p1 =	sne.s32 s14, $0x1380  }
.Ltmp4:
0x47: {  	s14 =	sadd.s32 $0x80, s14;
	(pc) =	sbr.rel @p1 .LBB2_5-.Ltmp4, $2  }
0x48: {  	_ =	sdelay $0x2  }
0x49: {  	s13 =	sadd.s32 $0x400, s13;
	s15 =	sadd.s32 s15, s11  }
.Ltmp5:
0x4a: {  	_ = 	snop;
	(pc) =	sbr.rel .LBB2_6-.Ltmp5, $1  }
0x4b: {  	_ =	sdelay $0x3  }
.LBB2_8:
0x4c: {  	_ =	sfence.sel $0x180000  }
0x4d: {  	s2 =	simm.s32 $0x2;
	[bflag:$0x0] =	sbarrier.arrive $0xFFFF  }
0x4e: {  	s30 =	simm.s32 $0x3;
	[sflag:s2] =	ssyncpa.u1 $0x1  }
0x4f: {  	s31 =	simm.s32 $0x1;
	[sflag:s30] =	ssyncpa.u1 $0x1  }
0x50: {  	[sflag:s31] =	ssyncpa.u1 $0x1  }
0x51: {  	p0 =	sne.s32 s1, $0x0;
	_ =	strace $0x90000047  }
0x52: {  	s0 =	sadd.s32 @!p0 $0x100000, s0;
	[bflag:$0x2] =	sbarrier.arrive $0xFFFF  }
0x53: {  	[sflag:s0] =	ssyncadd.tile.s32 @!p0 $0x1;
	_ =	shalt  }
.Lfunc_end2:
_tile_overlayer_lowered:
.L_overlay_start_2:
0x54: {  	(tag) =	ssettag $0x2  }
0x55: {  	s0 =	rddreg [dreg:$0x0];
	s2 =	stileid.u32  }
0x56: {  	s1 =	rddreg [dreg:$0x1];
	p0 =	sne.s32 s2, $0x0  }
0x57: {  	s3 =	rddreg [dreg:$0x2];
	[bflag:$0x3] =	sbarrier.arrive $0xFFFF;
	s2 =	simm.s32 @!p0 $0x1C01  }
0x58: {  	[timem:s3], [sflag:s2] =	dma.local @!p0 [hbm:s0], s1  }
0x59: {  	s0 =	simm.s32 @!p0 $0x1  }
0x5a: {  	_ =	swait.ge @!p0 [sflag:s0], s1  }
0x5b: {  	s1 =	ssub.s32 @!p0 $0x0, s1;
	[sflag:s0] =	ssyncset.done @!p0 $0x0  }
0x5c: {  	[sflag:s0] =	ssyncadd.s32 @!p0 s1  }
0x5d: {  	[bflag:$0x3] =	sbarrier.arrive $0xFFFF  }
0x5e: {  	_ =	shalt  }

// kernel: kernel.6.cloned.1.call-start
scs
__scs_entry_jumppad:
0x0: {  	(pc) =	sbr.rel $0x88, $3  }
0x1: {  	(tag) =	ssettag $0x0;
	lr =	simm.s32 $0x1  }
0x2: {  	[smem:$0x3F5C] =	sst lr;
	_ =	strace $0xD0000000  }
0x3: {  	_ = 	snop  }
0x4: {  	_ = 	snop  }
0x5: {  	_ = 	snop  }
0x6: {  	_ = 	snop  }
0x7: {  	_ = 	snop  }
__scs_overlays_trampoline_lowered:
0x8: {  	[smem:$0x3F6B] =	sst s0  }
0x9: {  	[smem:$0x3F6C] =	sst s1  }
0xa: {  	[smem:$0x3F6D] =	sst s2  }
0xb: {  	[smem:$0x3F6E] =	sst s3  }
0xc: {  	[smem:$0x3F6F] =	sst s4  }
0xd: {  	[smem:$0x3F70] =	sst s5  }
0xe: {  	[smem:$0x3F71] =	sst s6  }
0xf: {  	[smem:$0x3F72] =	sst s7  }
0x10: {  	[smem:$0x3F73] =	sst s8  }
0x11: {  	[smem:$0x3F74] =	sst s9;
	s0 =	simm.s32 @!p0 $0x0  }
0x12: {  	s1 =	sld [smem:$0x3F5A];
	s0 =	simm.s32 @p0 $0x1  }
0x13: {  	[smem:$0x3F75] =	sst s0;
	s0 =	simm.s32 @!p1 $0x0  }
0x14: {  	s2 =	sld [smem:$0x3F59];
	s0 =	simm.s32 @p1 $0x1  }
0x15: {  	[smem:$0x3F76] =	sst s0;
	s0 =	simm.s32 @!p2 $0x0  }
0x16: {  	s3 =	sld [smem:$0x3FDB];
	s0 =	simm.s32 @p2 $0x1  }
0x17: {  	s4 =	simm.s32 $0x1BF5;
	[smem:$0x3F78] =	sst s0  }
0x18: {  	s0 =	sld [smem:$0x3F5B];
	_ =	swait.ge [sflag:s4], $0x0  }
0x19: {  	s7 =	sld [smem:$0x3F5C]  }
0x1a: {  	s8 =	sadd.s32 $0xFFFFE003, lr  }
0x1b: {  	s9 =	sadd.s32 $0xFFFFFEF7, lr;
	s5 =	simm.s32 $0xFFFFFFFF;
	p2 =	slt.u32 s8, $0xFFFFF086  }
0x1c: {  	p1 =	slt.u32 s9, $0xF7A;
	s5 =	simm.s32 @!p2 $0x0  }
0x1d: {  	s5 =	simm.s32 @p1 $0x1;
	p0 =	seq.s32 s7, s2  }
0x1e: {  	s7 =	smul.u32 @!p0 $0xF7A, s2;
	p2 =	seq.s32 @!p0 s5, $0x0  }
0x1f: {  	s9 =	smul.u32 $0xF7A, s1;
	s8 =	simm.s32 @!p0 $0x1BF5;
	p2 =	por !p2, p0  }
0x20: {  	[sflag:s8] =	ssyncset.s32 @!p0 $0xFFFFF086;
	s6 =	sadd.s32 @!p0 s3, s7;
	s7 =	simm.s32 @!p0 $0x108  }
0x21: {  	s3 =	sadd.s32 s3, s9;
	s6 =	sadd.s32 @!p0 $0x88, s6;
	s7 =	simm.s32 @p2 $0x1082  }
0x22: {  	[simem:s7], [sflag:s8] =	dma.local @!p0 [hbm:s6], $0xF7A  }
0x23: {  	s9 =	sor.u32 $0xD0000000, s2;
	s6 =	simm.s32 $0x108;
	_ =	swait.ge @!p0 [sflag:s8], $0x0  }
0x24: {  	s3 =	sadd.s32 $0x88, s3;
	s6 =	simm.s32 @!p1 $0x1082;
	[sflag:s4] =	ssyncset.s32 $0xFFFFF086  }
0x25: {  	[simem:s6], [sflag:s4] =	dma.local [hbm:s3], $0xF7A  }
0x26: {  	[smem:$0x3F5C] =	sst s1;
	(tag) =	ssettag s2;
	_ =	strace s9  }
0x27: {  	s1 =	sld [smem:$0x3F6C]  }
0x28: {  	s2 =	sld [smem:$0x3F6D]  }
0x29: {  	s4 =	sld [smem:$0x3F6F]  }
0x2a: {  	p0 =	seq.s32 s5, $0x0;
	s5 =	sld [smem:$0x3F70]  }
0x2b: {  	s6 =	sld [smem:$0x3F71]  }
0x2c: {  	s7 =	sld [smem:$0x3F72]  }
0x2d: {  	s3 =	simm.s32 $0x108;
	s8 =	sld [smem:$0x3F73]  }
0x2e: {  	s3 =	simm.s32 @!p0 $0x1082;
	s9 =	sld [smem:$0x3F74]  }
0x2f: {  	lr =	sadd.s32 s0, s3;
	s0 =	sld [smem:$0x3F6B]  }
0x30: {  	s3 =	sld [smem:$0x3F6E]  }
0x31: {  	[smem:$0x3F77] =	sst s10  }
0x32: {  	s10 =	sld [smem:$0x3F75];
	_ =	sdelay $0x3  }
0x33: {  	p0 =	seq.s32 s10, $0x1;
	s10 =	sld [smem:$0x3F77];
	_ =	sdelay $0x3  }
0x34: {  	[smem:$0x3F77] =	sst s10  }
0x35: {  	s10 =	sld [smem:$0x3F76];
	_ =	sdelay $0x3  }
0x36: {  	p1 =	seq.s32 s10, $0x1;
	s10 =	sld [smem:$0x3F77];
	_ =	sdelay $0x3  }
0x37: {  	[smem:$0x3F77] =	sst s10  }
0x38: {  	s10 =	sld [smem:$0x3F78]  }
0x39: {  	_ = 	snop;
	(pc) =	sbr.ind lr, $3  }
0x3a: {  	_ = 	snop  }
0x3b: {  	_ = 	snop  }
0x3c: {  	p2 =	seq.s32 s10, $0x1;
	s10 =	sld [smem:$0x3F77]  }
0x3d: {  	_ =	shalt  }
0x3e: {  	_ =	shalt  }
0x3f: {  	_ =	shalt  }
0x40: {  	_ =	shalt  }
0x41: {  	_ =	shalt  }
0x42: {  	_ =	shalt  }
0x43: {  	_ =	shalt  }
0x44: {  	_ =	shalt  }
0x45: {  	_ =	shalt  }
0x46: {  	_ =	shalt  }
0x47: {  	_ =	shalt  }
0x48: {  	_ =	shalt  }
0x49: {  	_ =	shalt  }
0x4a: {  	_ =	shalt  }
0x4b: {  	_ =	shalt  }
0x4c: {  	_ =	shalt  }
0x4d: {  	_ =	shalt  }
0x4e: {  	_ =	shalt  }
0x4f: {  	_ =	shalt  }
0x50: {  	_ =	shalt  }
0x51: {  	_ =	shalt  }
0x52: {  	_ =	shalt  }
0x53: {  	_ =	shalt  }
0x54: {  	_ =	shalt  }
0x55: {  	_ =	shalt  }
0x56: {  	_ =	shalt  }
0x57: {  	_ =	shalt  }
0x58: {  	_ =	shalt  }
0x59: {  	_ =	shalt  }
0x5a: {  	_ =	shalt  }
0x5b: {  	_ =	shalt  }
0x5c: {  	_ =	shalt  }
0x5d: {  	_ =	shalt  }
0x5e: {  	_ =	shalt  }
0x5f: {  	_ =	shalt  }
0x60: {  	_ =	shalt  }
0x61: {  	_ =	shalt  }
0x62: {  	_ =	shalt  }
0x63: {  	_ =	shalt  }
0x64: {  	_ =	shalt  }
0x65: {  	_ =	shalt  }
0x66: {  	_ =	shalt  }
0x67: {  	_ =	shalt  }
0x68: {  	_ =	shalt  }
0x69: {  	_ =	shalt  }
0x6a: {  	_ =	shalt  }
0x6b: {  	_ =	shalt  }
0x6c: {  	_ =	shalt  }
0x6d: {  	_ =	shalt  }
0x6e: {  	_ =	shalt  }
0x6f: {  	_ =	shalt  }
0x70: {  	_ =	shalt  }
0x71: {  	_ =	shalt  }
0x72: {  	_ =	shalt  }
0x73: {  	_ =	shalt  }
0x74: {  	_ =	shalt  }
0x75: {  	_ =	shalt  }
0x76: {  	_ =	shalt  }
0x77: {  	_ =	shalt  }
0x78: {  	_ =	shalt  }
0x79: {  	_ =	shalt  }
0x7a: {  	_ =	shalt  }
0x7b: {  	_ =	shalt  }
0x7c: {  	_ =	shalt  }
0x7d: {  	_ =	shalt  }
0x7e: {  	_ =	shalt  }
0x7f: {  	_ =	shalt  }
0x80: {  	_ =	shalt  }
0x81: {  	_ =	shalt  }
0x82: {  	_ =	shalt  }
0x83: {  	_ =	shalt  }
0x84: {  	_ =	shalt  }
0x85: {  	_ =	shalt  }
0x86: {  	_ =	shalt  }
0x87: {  	_ =	shalt  }
.Lfunc_end0:
.L_simem_size_0:
called_computation.1_lowered:
.L_overlay_start_0:
0x88: {  	s2 =	sld [smem:$0x3FD9]  }
0x89: {  	s3 =	sld [smem:$0x3FFE];
	_ =	sdelay $0x1  }
0x8a: {  	s1 =	srdreg.scid  }
0x8b: {  	s0 =	sand.u32 $0x1, s1  }
0x8c: {  	s14 =	sshll.u32 s0, $0xA;
	s2 =	sadd.s32 s3, s2  }
0x8d: {  	s2 =	sadd.s32 s2, s14  }
0x8e: {  	[smem:$0x3F83] =	sst s2  }
0x8f: {  	_ = 	snop  }
0x90: {  	s2 =	sld [smem:$0x3FD0];
	_ =	sdelay $0x2  }
0x91: {  	s15 =	simm.s32 $0xA;
	s4 =	simm.s32 $0x10  }
0x92: {  	[smem:s4], [sflag:s15] =	dma.local [hbm:s2], $0x1  }
0x93: {  	_ =	swait.eq [sflag:s15], $0x1  }
0x94: {  	[sflag:s15] =	ssyncset.done $0x0  }
0x95: {  	[sflag:s15] =	ssyncadd.s32 $0xFFFFFFFF  }
0x96: {  	s16 =	sld [smem:$0x11];
	(tm) =	ssettm $0x1  }
0x97: {  	s17 =	sld [smem:$0x3FFB];
	_ =	sdelay $0x3  }
0x98: {  	_ =	strace s17  }
0x99: {  	s3 =	sld [smem:$0x3FFC];
	_ =	sdelay $0x3  }
0x9a: {  	_ =	strace s3  }
0x9b: {  	s3 =	sld [smem:$0x3FFD];
	_ =	sdelay $0x3  }
0x9c: {  	_ =	strace s3  }
0x9d: {  	_ =	strace $0x8FFFFFFF  }
0x9e: {  	s18 =	sld [smem:$0x3FDB];
	_ =	sdelay $0x1  }
0x9f: {  	s19 =	simm.s32 $_scs_section_size  }
0xa0: {  	s5 =	simm.s32 $_size__tile_overlayer_lowered;
	s6 =	simm.s32 $_tile_overlayer_lowered  }
0xa1: {  	s22 =	simm.s32 $0x1BFF;
	s21 =	sshll.u32 s6, $0x1;
	s3 =	sadd.s32 s19, s18  }
0xa2: {  	s7 =	simm.s32 $0x0;
	s20 =	sshll.u32 s5, $0x1;
	s5 =	sadd.s32 s21, s3  }
0xa3: {  	[timem:s7], [sflag:s22] =	dma.local [hbm:s5], s20  }
0xa4: {  	_ =	swait.ge [sflag:s22], s20  }
0xa5: {  	s4 =	ssub.s32 $0x0, s20;
	[sflag:s22] =	ssyncset.done $0x0  }
0xa6: {  	[sflag:s22] =	ssyncadd.s32 s4;
	_ =	sdelay $0x1  }
0xa7: {  	s23 =	simm.s32 $0x1B8B  }
0xa8: {  	_ =	swait.ge [sflag:s23], $0x1  }
0xa9: {  	[sflag:s23] =	ssyncset.done $0x0  }
0xaa: {  	s25 =	simm.s32 $0x1B8E;
	s24 =	sld [smem:$0x3FFE];
	[sflag:s23] =	ssyncadd.s32 $0xFFFFFFFF  }
0xab: {  	s26 =	simm.s32 $execute0_lowered;
	[smem:$0x3FD2] =	sst s25  }
0xac: {  	s5 =	sshll.u32 s26, $0x1;
	_ =	strace $0x80000049;
	[dreg:$0x1] =	wrdreg $0xFFFFFFFF  }
0xad: {  	s28 =	simm.s32 $_size_execute0_lowered;
	s3 =	sadd.s32 s3, s5;
	[dreg:$0x0] =	wrdreg $0x0  }
0xae: {  	s5 =	sshll.u32 s28, $0x1;
	[dreg:$0x2] =	wrdreg s3  }
0xaf: {  	[dreg:$0x3] =	wrdreg s5  }
0xb0: {  	[dreg:$0x4] =	wrdreg $0xC0  }
0xb1: {  	_ =	task [dreg:s7], $0x5FFFF  }
0xb2: {  	[dreg:$0x1] =	wrdreg $0xFFFFFFFF  }
0xb3: {  	[dreg:$0x0] =	wrdreg $0x60  }
0xb4: {  	[dreg:$0x2] =	wrdreg s24  }
0xb5: {  	[dreg:$0x3] =	wrdreg s16  }
0xb6: {  	[dreg:$0x4] =	wrdreg $0x9  }
0xb7: {  	_ =	task.clear_ibuf [dreg:s7], $0x5FFFF;
	_ =	strace $0x90000049  }
0xb8: {  	s29 =	simm.s32 $0x9;
	_ =	strace $0x8000004B  }
0xb9: {  	_ =	swait.ge [sflag:s29], $0x1  }
0xba: {  	[sflag:s29] =	ssyncadd.s32 $0xFFFFFFFF  }
0xbb: {  	_ =	strace $0x9000004B  }
0xbc: {  	_ =	sfence  }
0xbd: {  	s30 =	sld [smem:$0x0];
	_ =	sdelay $0x2  }
0xbe: {  	s31 =	sshll.u32 s1, $0xD;
	s1 =	sshrl.u32 s1, $0x2  }
0xbf: {  	s3 =	sand.u32 $0x4000, s31;
	s1 =	sadd.s32 s1, s30  }
0xc0: {  	s0 =	sor.u32 s3, s0;
	s1 =	sshll.u32 s1, $0x11  }
0xc1: {  	s0 =	sor.u32 s1, s0  }
0xc2: {  	s0 =	sadd.s32 $0x8F2B, s0  }
0xc3: {  	[sflag:s0] =	ssyncadd.remote.s32 $0x1  }
0xc4: {  	_ =	sfence.sel $0xFFFF  }
0xc5: {  	[dreg:$0x0] =	wrdreg $0xFFFFFFFF;
	(pc) =	sbr.abs _section_cstart, $3  }
0xc6: {  	[dreg:$0x1] =	wrdreg $0xFFFFFFFF  }
0xc7: {  	_ =	task.clear_ibuf [dreg:s7], $0x2FFFF;
	_ =	strace $0x9FFFFFFF  }
0xc8: {  	(tm) =	ssettm $0x7FFFFFFF  }
0xc9: {  	_ =	shalt  }
tec
execute0_lowered:
.L_overlay_start_1:
0x0: {  	(tag) =	ssettag $0x1  }
0x1: {  	s1 =	srdreg.scid;
	s0 =	stileid.u32  }
0x2: {  	s8 =	rddreg [dreg:$0x0];
	s16 =	sand.u32 $0x1, s1;
	s25 =	sshll.u32 s0, $0x1  }
0x3: {  	s15 =	rddreg [dreg:$0x1];
	s9 =	sor.u32 s16, s25  }
0x4: {  	s2 =	simm.s32 $0x0;
	s1 =	rddreg [dreg:$0x2];
	s3 =	smul.u32 $0x50, s9  }
0x5: {  	[smem:$0x7FF] =	sst s2  }
0x6: {  	_ =	strace $0x8000004A;
	s4 =	sadd.s32 s15, s3;
	s3 =	simm.s32 $0x2  }
0x7: {  	[tilespmem:s2], [sflag:$0x2] =	stream.linear.gather [hbm4b:s4+s2], $0x80, $0x38;
	[tilespmem:$0x4080] =	vst v63  }
0x8: {  	_ =	swait.ge [sflag:s3], $0x80  }
0x9: {  	s6 =	simm.s32 $0x80;
	[sflag:s3] =	ssyncset.done $0x0  }
0xa: {  	s7 =	simm.s32 $0x1;
	s5 =	sadd.s32 $0x1194A00, s8;
	[sflag:s3] =	ssyncadd.s32 $0xFFFFFF80  }
0xb: {  	[tilespmem:s6], [sflag:$0x1] =	stream.indirect.gather [hbm4b:s5+s6], $0x80, s2, s6, $0xb8;
	[tilespmem:$0x4080] =	vst v63  }
0xc: {  	s10 =	smul.u32 $0x2800, s9;
	_ =	swait.ge [sflag:s7], $0x4000  }
0xd: {  	s17 =	sadd.s32 $0xDE00, s8;
	[sflag:s7] =	ssyncset.done $0x0  }
0xe: {  	s18 =	smul.u32 $0x5, s9;
	s8 =	sadd.s32 s17, s10;
	[sflag:s7] =	ssyncadd.s32 $0xFFFFC000  }
0xf: {  	[hbm4b:s8+s2] =	stream.linear.scatter [tilespmem:s6], [sflag:$0x2], $0x4000, $0x38;
	[tilespmem:$0x4080] =	vst v63  }
0x10: {  	s26 =	sadd.s32 $0x1, s18;
	_ =	swait.ge [sflag:s3], $0x4000  }
0x11: {  	s28 =	sshll.u32 s26, $0x4;
	[sflag:s3] =	ssyncset.done $0x0  }
0x12: {  	s9 =	sadd.s32 s15, s28;
	[sflag:s3] =	ssyncadd.s32 $0xFFFFC000  }
0x13: {  	[tilespmem:s2], [sflag:$0x2] =	stream.linear.gather [hbm4b:s9+s2], $0x80, $0x38;
	[tilespmem:$0x4080] =	vst v63  }
0x14: {  	_ =	swait.ge [sflag:s3], $0x80  }
0x15: {  	[sflag:s3] =	ssyncset.done $0x0  }
0x16: {  	[sflag:s3] =	ssyncadd.s32 $0xFFFFFF80  }
0x17: {  	[tilespmem:s6], [sflag:$0x1] =	stream.indirect.gather [hbm4b:s5+s6], $0x80, s2, s6, $0xb8;
	[tilespmem:$0x4080] =	vst v63  }
0x18: {  	_ =	swait.ge [sflag:s7], $0x4000  }
0x19: {  	s10 =	sshll.u32 s26, $0xB;
	[sflag:s7] =	ssyncset.done $0x0  }
0x1a: {  	s10 =	sadd.s32 s17, s10;
	[sflag:s7] =	ssyncadd.s32 $0xFFFFC000  }
0x1b: {  	[hbm4b:s10+s2] =	stream.linear.scatter [tilespmem:s6], [sflag:$0x2], $0x4000, $0x38;
	[tilespmem:$0x4080] =	vst v63  }
0x1c: {  	s12 =	sadd.s32 $0x2, s18;
	_ =	swait.ge [sflag:s3], $0x4000  }
0x1d: {  	s11 =	sshll.u32 s12, $0x4;
	[sflag:s3] =	ssyncset.done $0x0  }
0x1e: {  	s11 =	sadd.s32 s15, s11;
	[sflag:s3] =	ssyncadd.s32 $0xFFFFC000  }
0x1f: {  	[tilespmem:s2], [sflag:$0x2] =	stream.linear.gather [hbm4b:s11+s2], $0x80, $0x38;
	[tilespmem:$0x4080] =	vst v63  }
0x20: {  	_ =	swait.ge [sflag:s3], $0x80  }
0x21: {  	[sflag:s3] =	ssyncset.done $0x0  }
0x22: {  	[sflag:s3] =	ssyncadd.s32 $0xFFFFFF80  }
0x23: {  	[tilespmem:s6], [sflag:$0x1] =	stream.indirect.gather [hbm4b:s5+s6], $0x80, s2, s6, $0xb8;
	[tilespmem:$0x4080] =	vst v63  }
0x24: {  	_ =	swait.ge [sflag:s7], $0x4000  }
0x25: {  	s12 =	sshll.u32 s12, $0xB;
	[sflag:s7] =	ssyncset.done $0x0  }
0x26: {  	s12 =	sadd.s32 s17, s12;
	[sflag:s7] =	ssyncadd.s32 $0xFFFFC000  }
0x27: {  	[hbm4b:s12+s2] =	stream.linear.scatter [tilespmem:s6], [sflag:$0x2], $0x4000, $0x38;
	[tilespmem:$0x4080] =	vst v63  }
0x28: {  	s14 =	sadd.s32 $0x3, s18;
	_ =	swait.ge [sflag:s3], $0x4000  }
0x29: {  	s13 =	sshll.u32 s14, $0x4;
	[sflag:s3] =	ssyncset.done $0x0  }
0x2a: {  	s13 =	sadd.s32 s15, s13;
	[sflag:s3] =	ssyncadd.s32 $0xFFFFC000  }
0x2b: {  	[tilespmem:s2], [sflag:$0x2] =	stream.linear.gather [hbm4b:s13+s2], $0x80, $0x38;
	[tilespmem:$0x4080] =	vst v63  }
0x2c: {  	_ =	swait.ge [sflag:s3], $0x80  }
0x2d: {  	[sflag:s3] =	ssyncset.done $0x0  }
0x2e: {  	[sflag:s3] =	ssyncadd.s32 $0xFFFFFF80  }
0x2f: {  	[tilespmem:s6], [sflag:$0x1] =	stream.indirect.gather [hbm4b:s5+s6], $0x80, s2, s6, $0xb8;
	[tilespmem:$0x4080] =	vst v63  }
0x30: {  	_ =	swait.ge [sflag:s7], $0x4000  }
0x31: {  	s14 =	sshll.u32 s14, $0xB;
	[sflag:s7] =	ssyncset.done $0x0  }
0x32: {  	s14 =	sadd.s32 s17, s14;
	[sflag:s7] =	ssyncadd.s32 $0xFFFFC000  }
0x33: {  	[hbm4b:s14+s2] =	stream.linear.scatter [tilespmem:s6], [sflag:$0x2], $0x4000, $0x38;
	[tilespmem:$0x4080] =	vst v63  }
0x34: {  	s18 =	sadd.s32 $0x4, s18;
	_ =	swait.ge [sflag:s3], $0x4000  }
0x35: {  	s19 =	sshll.u32 s18, $0x4;
	[sflag:s3] =	ssyncset.done $0x0  }
0x36: {  	s16 =	ssub.s32 $0x2, s16;
	s15 =	sadd.s32 s15, s19;
	[sflag:s3] =	ssyncadd.s32 $0xFFFFC000  }
0x37: {  	[tilespmem:s2], [sflag:$0x2] =	stream.linear.gather [hbm4b:s15+s2], $0x80, $0x38;
	[tilespmem:$0x4080] =	vst v63  }
0x38: {  	s29 =	sshrl.u32 s16, $0x1;
	_ =	swait.ge [sflag:s3], $0x80  }
0x39: {  	s19 =	ssub.s32 s16, s29;
	[sflag:s3] =	ssyncset.done $0x0  }
0x3a: {  	s31 =	smax.u32 s19, $0x1;
	[sflag:s3] =	ssyncadd.s32 $0xFFFFFF80  }
0x3b: {  	[tilespmem:s6], [sflag:$0x1] =	stream.indirect.gather [hbm4b:s5+s6], $0x80, s2, s6, $0xb8;
	[tilespmem:$0x4080] =	vst v63  }
0x3c: {  	p0 =	sne.s32 s31, $0x1;
	_ =	swait.ge [sflag:s7], $0x4000  }
.Ltmp0:
0x3d: {  	s30 =	sshll.u32 s18, $0xB;
	[sflag:s7] =	ssyncset.done $0x0;
	(pc) =	sbr.rel @!p0 .LBB2_2-.Ltmp0, $4  }
0x3e: {  	s16 =	sadd.s32 s17, s30;
	[sflag:s7] =	ssyncadd.s32 $0xFFFFC000  }
0x3f: {  	[hbm4b:s16+s2] =	stream.linear.scatter [tilespmem:s6], [sflag:$0x2], $0x4000, $0x38;
	[tilespmem:$0x4080] =	vst v63  }
0x40: {  	_ =	swait.ge [sflag:s3], $0x4000  }
0x41: {  	s17 =	sadd.s32 $0xFFFFFFFF, s31;
	[sflag:s3] =	ssyncset.done $0x0  }
.LBB2_1:
0x42: {  	p0 =	sne.s32 s17, $0x1;
	s17 =	sadd.s32 $0xFFFFFFFF, s17;
	[sflag:s3] =	ssyncadd.s32 $0xFFFFC000  }
0x43: {  	[tilespmem:s2], [sflag:$0x2] =	stream.linear.gather [hbm4b:s4+s2], $0x80, $0x38;
	[tilespmem:$0x4080] =	vst v63  }
0x44: {  	_ =	swait.ge [sflag:s3], $0x80  }
0x45: {  	[sflag:s3] =	ssyncset.done $0x0  }
0x46: {  	[sflag:s3] =	ssyncadd.s32 $0xFFFFFF80  }
0x47: {  	[tilespmem:s6], [sflag:$0x1] =	stream.indirect.gather [hbm4b:s5+s6], $0x80, s2, s6, $0xb8;
	[tilespmem:$0x4080] =	vst v63  }
0x48: {  	_ =	swait.ge [sflag:s7], $0x4000  }
0x49: {  	[sflag:s7] =	ssyncset.done $0x0  }
0x4a: {  	[sflag:s7] =	ssyncadd.s32 $0xFFFFC000  }
0x4b: {  	[hbm4b:s8+s2] =	stream.linear.scatter [tilespmem:s6], [sflag:$0x2], $0x4000, $0x38;
	[tilespmem:$0x4080] =	vst v63  }
0x4c: {  	_ =	swait.ge [sflag:s3], $0x4000  }
0x4d: {  	[sflag:s3] =	ssyncset.done $0x0  }
0x4e: {  	[sflag:s3] =	ssyncadd.s32 $0xFFFFC000  }
0x4f: {  	[tilespmem:s2], [sflag:$0x2] =	stream.linear.gather [hbm4b:s9+s2], $0x80, $0x38;
	[tilespmem:$0x4080] =	vst v63  }
0x50: {  	_ =	swait.ge [sflag:s3], $0x80  }
0x51: {  	[sflag:s3] =	ssyncset.done $0x0  }
0x52: {  	[sflag:s3] =	ssyncadd.s32 $0xFFFFFF80  }
0x53: {  	[tilespmem:s6], [sflag:$0x1] =	stream.indirect.gather [hbm4b:s5+s6], $0x80, s2, s6, $0xb8;
	[tilespmem:$0x4080] =	vst v63  }
0x54: {  	_ =	swait.ge [sflag:s7], $0x4000  }
0x55: {  	[sflag:s7] =	ssyncset.done $0x0  }
0x56: {  	[sflag:s7] =	ssyncadd.s32 $0xFFFFC000  }
0x57: {  	[hbm4b:s10+s2] =	stream.linear.scatter [tilespmem:s6], [sflag:$0x2], $0x4000, $0x38;
	[tilespmem:$0x4080] =	vst v63  }
0x58: {  	_ =	swait.ge [sflag:s3], $0x4000  }
0x59: {  	[sflag:s3] =	ssyncset.done $0x0  }
0x5a: {  	[sflag:s3] =	ssyncadd.s32 $0xFFFFC000  }
0x5b: {  	[tilespmem:s2], [sflag:$0x2] =	stream.linear.gather [hbm4b:s11+s2], $0x80, $0x38;
	[tilespmem:$0x4080] =	vst v63  }
0x5c: {  	_ =	swait.ge [sflag:s3], $0x80  }
0x5d: {  	[sflag:s3] =	ssyncset.done $0x0  }
0x5e: {  	[sflag:s3] =	ssyncadd.s32 $0xFFFFFF80  }
0x5f: {  	[tilespmem:s6], [sflag:$0x1] =	stream.indirect.gather [hbm4b:s5+s6], $0x80, s2, s6, $0xb8;
	[tilespmem:$0x4080] =	vst v63  }
0x60: {  	_ =	swait.ge [sflag:s7], $0x4000  }
0x61: {  	[sflag:s7] =	ssyncset.done $0x0  }
0x62: {  	[sflag:s7] =	ssyncadd.s32 $0xFFFFC000  }
0x63: {  	[hbm4b:s12+s2] =	stream.linear.scatter [tilespmem:s6], [sflag:$0x2], $0x4000, $0x38;
	[tilespmem:$0x4080] =	vst v63  }
0x64: {  	_ =	swait.ge [sflag:s3], $0x4000  }
0x65: {  	[sflag:s3] =	ssyncset.done $0x0  }
0x66: {  	[sflag:s3] =	ssyncadd.s32 $0xFFFFC000  }
0x67: {  	[tilespmem:s2], [sflag:$0x2] =	stream.linear.gather [hbm4b:s13+s2], $0x80, $0x38;
	[tilespmem:$0x4080] =	vst v63  }
0x68: {  	_ =	swait.ge [sflag:s3], $0x80  }
0x69: {  	[sflag:s3] =	ssyncset.done $0x0  }
0x6a: {  	[sflag:s3] =	ssyncadd.s32 $0xFFFFFF80  }
0x6b: {  	[tilespmem:s6], [sflag:$0x1] =	stream.indirect.gather [hbm4b:s5+s6], $0x80, s2, s6, $0xb8;
	[tilespmem:$0x4080] =	vst v63  }
0x6c: {  	_ =	swait.ge [sflag:s7], $0x4000  }
0x6d: {  	[sflag:s7] =	ssyncset.done $0x0  }
0x6e: {  	[sflag:s7] =	ssyncadd.s32 $0xFFFFC000  }
0x6f: {  	[hbm4b:s14+s2] =	stream.linear.scatter [tilespmem:s6], [sflag:$0x2], $0x4000, $0x38;
	[tilespmem:$0x4080] =	vst v63  }
0x70: {  	_ =	swait.ge [sflag:s3], $0x4000  }
0x71: {  	[sflag:s3] =	ssyncset.done $0x0  }
0x72: {  	[sflag:s3] =	ssyncadd.s32 $0xFFFFC000  }
0x73: {  	[tilespmem:s2], [sflag:$0x2] =	stream.linear.gather [hbm4b:s15+s2], $0x80, $0x38;
	[tilespmem:$0x4080] =	vst v63  }
0x74: {  	_ =	swait.ge [sflag:s3], $0x80  }
0x75: {  	[sflag:s3] =	ssyncset.done $0x0  }
0x76: {  	[sflag:s3] =	ssyncadd.s32 $0xFFFFFF80  }
0x77: {  	[tilespmem:s6], [sflag:$0x1] =	stream.indirect.gather [hbm4b:s5+s6], $0x80, s2, s6, $0xb8;
	[tilespmem:$0x4080] =	vst v63  }
0x78: {  	_ =	swait.ge [sflag:s7], $0x4000  }
.Ltmp1:
0x79: {  	[sflag:s7] =	ssyncset.done $0x0;
	(pc) =	sbr.rel @p0 .LBB2_1-.Ltmp1, $4  }
0x7a: {  	[sflag:s7] =	ssyncadd.s32 $0xFFFFC000  }
0x7b: {  	[hbm4b:s16+s2] =	stream.linear.scatter [tilespmem:s6], [sflag:$0x2], $0x4000, $0x38;
	[tilespmem:$0x4080] =	vst v63  }
0x7c: {  	_ =	swait.ge [sflag:s3], $0x4000  }
0x7d: {  	[sflag:s3] =	ssyncset.done $0x0  }
.LBB2_2:
0x7e: {  	[sflag:s3] =	ssyncadd.s32 $0xFFFFC000  }
0x7f: {  	_ =	sfence.sel $0x180000  }
0x80: {  	[bflag:$0x0] =	sbarrier.arrive $0xFFFF  }
0x81: {  	p0 =	sne.s32 s0, $0x0;
	_ =	strace $0x9000004A  }
0x82: {  	s0 =	sadd.s32 @!p0 $0x100000, s1;
	[bflag:$0x2] =	sbarrier.arrive $0xFFFF  }
0x83: {  	[sflag:s0] =	ssyncadd.tile.s32 @!p0 $0x1;
	_ =	shalt  }
.Lfunc_end2:
_tile_overlayer_lowered:
.L_overlay_start_2:
0x84: {  	(tag) =	ssettag $0x2  }
0x85: {  	s0 =	rddreg [dreg:$0x0];
	s2 =	stileid.u32  }
0x86: {  	s1 =	rddreg [dreg:$0x1];
	p0 =	sne.s32 s2, $0x0  }
0x87: {  	s3 =	rddreg [dreg:$0x2];
	[bflag:$0x3] =	sbarrier.arrive $0xFFFF;
	s2 =	simm.s32 @!p0 $0x1C02  }
0x88: {  	[timem:s3], [sflag:s2] =	dma.local @!p0 [hbm:s0], s1  }
0x89: {  	s0 =	simm.s32 @!p0 $0x2  }
0x8a: {  	_ =	swait.ge @!p0 [sflag:s0], s1  }
0x8b: {  	s1 =	ssub.s32 @!p0 $0x0, s1;
	[sflag:s0] =	ssyncset.done @!p0 $0x0  }
0x8c: {  	[sflag:s0] =	ssyncadd.s32 @!p0 s1  }
0x8d: {  	[bflag:$0x3] =	sbarrier.arrive $0xFFFF  }
0x8e: {  	_ =	shalt  }

</sc_bundles>
